<compile_context>
chip_gen: v7x
topology: tpu7x:2x2x1
jax: 0.10.2.dev20260603
libtpu: 0.0.44.dev20260713+nightly
codegen_flags: <defaults>
</compile_context>

<pallas_src>
import functools

import jax
import jax.numpy as jnp
from jax import lax
from jax.experimental import pallas as pl
from jax.experimental.pallas import tpu as pltpu
from jax.experimental.pallas import tpu_sc as plsc

N_NODES = 10000
N_EDGES = 320000
D_FEAT = 128

NC = 2
NS = 16
NW = NC * NS

E_MAIN = 9984
N_TAIL = N_EDGES - NW * E_MAIN
TAIL_W = N_TAIL // 128
N_PAD = 10240
Z_W = N_PAD // NS
N_CH = 6
CH = E_MAIN // N_CH

ROWS_BLK = 2048
N_BLKS = (N_NODES + ROWS_BLK - 1) // ROWS_BLK

_mesh = plsc.VectorSubcoreMesh(core_axis_name="c", subcore_axis_name="s")


@functools.partial(
    pl.kernel,
    out_type=jax.ShapeDtypeStruct((NC, N_PAD), jnp.float32),
    mesh=_mesh,
    scratch_types=[
        pltpu.VMEM((2, E_MAIN), jnp.int32),
        pltpu.VMEM((E_MAIN,), jnp.int32),
        pltpu.VMEM((2, 128), jnp.int32),
        pltpu.VMEM((128,), jnp.int32),
        pltpu.VMEM((E_MAIN,), jnp.float32),
        pltpu.VMEM((Z_W,), jnp.float32),
        pltpu.VMEM_SHARED((N_PAD,), jnp.float32),
        pltpu.SemaphoreType.DMA,
        pltpu.SemaphoreType.DMA,
    ],
)
def _degree_kernel(edge_hbm, out_hbm, idx_v, idx1_v, tail_v, tail1_v,
                   ones_v, zeros_v, hist_sh, sem_idx, sem_sc):
    cid = lax.axis_index("c")
    sid = lax.axis_index("s")
    wid = sid * NC + cid

    h_idx = pltpu.async_copy(
        edge_hbm.at[pl.ds(0, 2), pl.ds(wid * E_MAIN, E_MAIN)],
        idx_v, sem_idx)

    @pl.when(wid < TAIL_W)
    def _():
        pltpu.sync_copy(
            edge_hbm.at[pl.ds(0, 2), pl.ds(NW * E_MAIN + wid * 128, 128)],
            tail_v)

    def fill(i, _):
        ones_v[pl.ds(i * 16, 16)] = jnp.ones((16,), jnp.float32)
        return 0

    lax.fori_loop(0, E_MAIN // 16, fill, 0)

    def fillz(i, _):
        zeros_v[pl.ds(i * 16, 16)] = jnp.zeros((16,), jnp.float32)
        return 0

    lax.fori_loop(0, Z_W // 16, fillz, 0)

    pltpu.sync_copy(zeros_v, hist_sh.at[pl.ds(sid * Z_W, Z_W)])
    h_idx.wait()
    plsc.subcore_barrier()

    @pl.when(wid < TAIL_W)
    def _():
        def deint_t(k, _):
            tail1_v[pl.ds(k * 16, 16)] = tail_v[1, pl.ds(k * 16, 16)]
            return 0

        lax.fori_loop(0, 128 // 16, deint_t, 0)
        pltpu.sync_copy(ones_v.at[pl.ds(0, 128)],
                        hist_sh.at[tail1_v], add=True)

    fires = []
    for c in range(N_CH):
        lo = c * CH

        def deint(k, _, lo=lo):
            idx1_v[pl.ds(lo + k * 16, 16)] = idx_v[1, pl.ds(lo + k * 16, 16)]
            return 0

        lax.fori_loop(0, CH // 16, deint, 0)
        fires.append(pltpu.async_copy(ones_v.at[pl.ds(lo, CH)],
                                      hist_sh.at[idx1_v.at[pl.ds(lo, CH)]],
                                      sem_sc, add=True))
    for h in fires:
        h.wait()

    plsc.subcore_barrier()

    @pl.when(sid == 0)
    def _():
        pltpu.sync_copy(hist_sh, out_hbm.at[cid])


def _mm_body(x_ref, w_ref, o_ref):
    o_ref[...] = jnp.dot(x_ref[...], w_ref[...],
                         preferred_element_type=jnp.float32)


def _scale_body(c_ref, xw_ref, o_ref):
    cnt = c_ref[0, :] + c_ref[1, :]
    o_ref[...] = xw_ref[...] * cnt[:, None]


def kernel(edge_index, x, W):
    deg = _degree_kernel(edge_index)

    xw = pl.pallas_call(
        _mm_body,
        grid=(N_BLKS,),
        out_shape=jax.ShapeDtypeStruct((N_NODES, D_FEAT), jnp.float32),
        in_specs=[
            pl.BlockSpec((ROWS_BLK, D_FEAT), lambda i: (i, 0)),
            pl.BlockSpec((D_FEAT, D_FEAT), lambda i: (0, 0)),
        ],
        out_specs=pl.BlockSpec((ROWS_BLK, D_FEAT), lambda i: (i, 0)),
    )(x, W)

    out = pl.pallas_call(
        _scale_body,
        grid=(N_BLKS,),
        out_shape=jax.ShapeDtypeStruct((N_NODES, D_FEAT), jnp.float32),
        in_specs=[
            pl.BlockSpec((NC, ROWS_BLK), lambda i: (0, i)),
            pl.BlockSpec((ROWS_BLK, D_FEAT), lambda i: (i, 0)),
        ],
        out_specs=pl.BlockSpec((ROWS_BLK, D_FEAT), lambda i: (i, 0)),
    )(deg, xw)
    return out

# --- scband reference (transcript-rebuilt; emitter-appended) ---
"""Pipeline reference for scband-message-passing-9887014715655 (READ-ONLY COPY).

The authoritative reference and input builder live on the scoring server;
editing this copy changes nothing except your own understanding.
"""

import jax, jax.numpy as jnp
import numpy as np

N_NODES = 10000
N_EDGES = 320000
D_FEAT = 128


def setup_inputs(seed: int = 0) -> dict:
    key = jax.random.key(seed)
    k1, k2, k3 = jax.random.split(key, 3)
    edge_index = jax.random.randint(k1, (2, N_EDGES), 0, N_NODES, dtype=jnp.int32)
    x = jax.random.normal(k2, (N_NODES, D_FEAT), dtype=jnp.float32)
    W = jax.random.normal(k3, (D_FEAT, D_FEAT), dtype=jnp.float32) * (1.0 / np.sqrt(D_FEAT))
    return {"edge_index": edge_index, "x": x, "W": W}


def reference(edge_index, x, W):
    # propagate(edge_index, x, W):
    #   source, target = edge_index
    #   messages = message(x[target], W)   # message(x_j, W) = x_j @ W (linear message fn)
    #   aggr_messages = zeros_like(x); aggr_messages.index_add_(0, target, messages)
    source = edge_index[0]
    target = edge_index[1]
    x_j = jnp.take(x, target, axis=0)          # gather (SparseCore-friendly)
    messages = x_j @ W                          # message transform
    aggr_messages = jnp.zeros_like(x).at[target].add(messages)  # scatter-add == index_add_
    return aggr_messages

if __name__ == "__main__":
    import jax
    _d = setup_inputs()
    print(jax.jit(kernel)(*tuple(_d.values())))

</pallas_src>

<mosaic_0001>
#map = affine_map<(d0, d1) -> (0, 0)>
module attributes {stable_mosaic.version = 14 : i64} {
  func.func @_degree_kernel(%arg0: i32, %arg1: i32, %arg2: memref<2x320000xi32, #tpu.memory_space<hbm>>, %arg3: memref<2x10240xf32, #tpu.memory_space<hbm>>, %arg4: memref<2x9984xi32, #tpu.memory_space<vmem>>, %arg5: memref<9984xi32, #tpu.memory_space<vmem>>, %arg6: memref<2x128xi32, #tpu.memory_space<vmem>>, %arg7: memref<128xi32, #tpu.memory_space<vmem>>, %arg8: memref<9984xf32, #tpu.memory_space<vmem>>, %arg9: memref<640xf32, #tpu.memory_space<vmem>>, %arg10: memref<10240xf32, #tpu.memory_space<vmem_shared>>, %arg11: memref<!tpu.dma_semaphore, #tpu.memory_space<semaphore_mem>>, %arg12: memref<!tpu.dma_semaphore, #tpu.memory_space<semaphore_mem>>) attributes {dimension_semantics = [#tpu.dimension_semantics<core_parallel>, #tpu.dimension_semantics<subcore_parallel>], iteration_bounds = array<i64: 2, 16>, scalar_prefetch = 0 : i64, scratch_operands = 9 : i64, tpu.core_type = #tpu.core_type<sc_vector_subcore>, window_params = [{transform_indices = #map}, {transform_indices = #map}]} {
    %mul3A = arith.constant 2 : i32
    %mul3A_0 = arith.muli %arg1, %mul3A : i32
    %add3A = arith.addi %mul3A_0, %arg0 : i32
    %mul3A_1 = arith.constant 9984 : i32
    %mul3A_2 = arith.muli %add3A, %mul3A_1 : i32
    %dma_start3A = arith.constant 0 : i32
    %dma_start3A_3 = tpu.memref_slice %arg2[%dma_start3A, %mul3A_2] : memref<2x320000xi32, #tpu.memory_space<hbm>> -> memref<2x9984xi32, #tpu.memory_space<hbm>>
    %dma_start3A_4 = arith.constant 0 : i32
    %dma_start3A_5 = tpu.memref_slice %arg2[%dma_start3A_4, %mul3A_2] : memref<2x320000xi32, #tpu.memory_space<hbm>> -> memref<2x9984xi32, #tpu.memory_space<hbm>>
    tpu.enqueue_dma source(%dma_start3A_5 : memref<2x9984xi32, #tpu.memory_space<hbm>>) target(%arg4 : memref<2x9984xi32, #tpu.memory_space<vmem>>) target_semaphore(%arg11 : memref<!tpu.dma_semaphore, #tpu.memory_space<semaphore_mem>>)
    %lt3A = arith.constant 4 : i32
    %lt3A_6 = arith.cmpi slt, %add3A, %lt3A : i32
    %convert_element_type3A = arith.extui %lt3A_6 : i1 to i32
    %cond3A = arith.constant 0 : i32
    %cond3A_7 = arith.cmpi ne, %convert_element_type3A, %cond3A : i32
    scf.if %cond3A_7 {
      %mul3A_150 = arith.constant 128 : i32
      %mul3A_151 = arith.muli %add3A, %mul3A_150 : i32
      %add3A_152 = arith.constant 319488 : i32
      %add3A_153 = arith.addi %add3A_152, %mul3A_151 : i32
      "tpu.region"() ({
        %run_scoped3A = tpu.sem_alloc : memref<!tpu.dma_semaphore, #tpu.memory_space<semaphore_mem>>
        %dma_start3A_154 = arith.constant 0 : i32
        %dma_start3A_155 = tpu.memref_slice %arg2[%dma_start3A_154, %add3A_153] : memref<2x320000xi32, #tpu.memory_space<hbm>> -> memref<2x128xi32, #tpu.memory_space<hbm>>
        %dma_start3A_156 = arith.constant 0 : i32
        %dma_start3A_157 = tpu.memref_slice %arg2[%dma_start3A_156, %add3A_153] : memref<2x320000xi32, #tpu.memory_space<hbm>> -> memref<2x128xi32, #tpu.memory_space<hbm>>
        tpu.enqueue_dma source(%dma_start3A_157 : memref<2x128xi32, #tpu.memory_space<hbm>>) target(%arg6 : memref<2x128xi32, #tpu.memory_space<vmem>>) target_semaphore(%run_scoped3A : memref<!tpu.dma_semaphore, #tpu.memory_space<semaphore_mem>>)
        %dma_wait3A_158 = arith.constant 0 : i32
        %dma_wait3A_159 = tpu.memref_slice %arg2[%dma_wait3A_158, %add3A_153] : memref<2x320000xi32, #tpu.memory_space<hbm>> -> memref<2x128xi32, #tpu.memory_space<hbm>>
        %dma_wait3A_160 = arith.constant 0 : i32
        %dma_wait3A_161 = tpu.memref_slice %arg2[%dma_wait3A_160, %add3A_153] : memref<2x320000xi32, #tpu.memory_space<hbm>> -> memref<2x128xi32, #tpu.memory_space<hbm>>
        tpu.wait_dma2 semaphore(%run_scoped3A : memref<!tpu.dma_semaphore, #tpu.memory_space<semaphore_mem>>) src(%dma_wait3A_161 : memref<2x128xi32, #tpu.memory_space<hbm>>) dst(%arg6 : memref<2x128xi32, #tpu.memory_space<vmem>>)
        tpu.yield
      }) : () -> ()
    } else {
    }
    %scan3A = arith.constant 0 : i32
    %scan3A_8 = arith.constant 0 : i32
    %scan3A_9 = arith.constant 624 : i32
    %scan3A_10 = arith.addi %scan3A_8, %scan3A_9 : i32
    %scan3A_11 = arith.constant 1 : i32
    %scan3A_12 = scf.for %scan3A_150 = %scan3A_8 to %scan3A_10 step %scan3A_11 iter_args(%scan3A_151 = %scan3A) -> (i32)  : i32 {
      %broadcast_in_dim3A = arith.constant 1.000000e+00 : f32
      %broadcast_in_dim3A_152 = vector.broadcast %broadcast_in_dim3A : f32 to vector<16xf32>
      %mul3A_153 = arith.constant 16 : i32
      %mul3A_154 = arith.muli %scan3A_150, %mul3A_153 : i32
      %swap3A = arith.index_cast %mul3A_154 : i32 to index
      %swap3A_155 = tpu.vector_load %arg8[%swap3A] {strides = array<i32>} : memref<9984xf32, #tpu.memory_space<vmem>>, vector<16xf32>,
      %swap3A_156 = vector.shape_cast %swap3A_155 : vector<16xf32> to vector<16xf32>
      %swap3A_157 = vector.shape_cast %broadcast_in_dim3A_152 : vector<16xf32> to vector<16xf32>
      tpu.vector_store %arg8[%swap3A], %swap3A_157 {strides = array<i32>} : memref<9984xf32, #tpu.memory_space<vmem>>, vector<16xf32>,
      %scan3A_158 = arith.constant 0 : i32
      scf.yield %scan3A_158 : i32
    }
    %scan3A_13 = arith.constant 624 : i32
    %scan3A_14 = arith.constant 0 : i32
    %scan3A_15 = arith.constant 0 : i32
    %scan3A_16 = arith.constant 40 : i32
    %scan3A_17 = arith.addi %scan3A_15, %scan3A_16 : i32
    %scan3A_18 = arith.constant 1 : i32
    %scan3A_19 = scf.for %scan3A_150 = %scan3A_15 to %scan3A_17 step %scan3A_18 iter_args(%scan3A_151 = %scan3A_14) -> (i32)  : i32 {
      %broadcast_in_dim3A = arith.constant 0.000000e+00 : f32
      %broadcast_in_dim3A_152 = vector.broadcast %broadcast_in_dim3A : f32 to vector<16xf32>
      %mul3A_153 = arith.constant 16 : i32
      %mul3A_154 = arith.muli %scan3A_150, %mul3A_153 : i32
      %swap3A = arith.index_cast %mul3A_154 : i32 to index
      %swap3A_155 = tpu.vector_load %arg9[%swap3A] {strides = array<i32>} : memref<640xf32, #tpu.memory_space<vmem>>, vector<16xf32>,
      %swap3A_156 = vector.shape_cast %swap3A_155 : vector<16xf32> to vector<16xf32>
      %swap3A_157 = vector.shape_cast %broadcast_in_dim3A_152 : vector<16xf32> to vector<16xf32>
      tpu.vector_store %arg9[%swap3A], %swap3A_157 {strides = array<i32>} : memref<640xf32, #tpu.memory_space<vmem>>, vector<16xf32>,
      %scan3A_158 = arith.constant 0 : i32
      scf.yield %scan3A_158 : i32
    }
    %scan3A_20 = arith.constant 40 : i32
    %mul3A_21 = arith.constant 640 : i32
    %mul3A_22 = arith.muli %arg1, %mul3A_21 : i32
    "tpu.region"() ({
      %run_scoped3A = tpu.sem_alloc : memref<!tpu.dma_semaphore, #tpu.memory_space<semaphore_mem>>
      %dma_start3A_150 = tpu.memref_slice %arg10[%mul3A_22] : memref<10240xf32, #tpu.memory_space<vmem_shared>> -> memref<640xf32, #tpu.memory_space<vmem_shared>>
      %dma_start3A_151 = tpu.memref_slice %arg10[%mul3A_22] : memref<10240xf32, #tpu.memory_space<vmem_shared>> -> memref<640xf32, #tpu.memory_space<vmem_shared>>
      tpu.enqueue_dma source(%arg9 : memref<640xf32, #tpu.memory_space<vmem>>) target(%dma_start3A_151 : memref<640xf32, #tpu.memory_space<vmem_shared>>) target_semaphore(%run_scoped3A : memref<!tpu.dma_semaphore, #tpu.memory_space<semaphore_mem>>)
      %dma_wait3A_152 = tpu.memref_slice %arg10[%mul3A_22] : memref<10240xf32, #tpu.memory_space<vmem_shared>> -> memref<640xf32, #tpu.memory_space<vmem_shared>>
      %dma_wait3A_153 = tpu.memref_slice %arg10[%mul3A_22] : memref<10240xf32, #tpu.memory_space<vmem_shared>> -> memref<640xf32, #tpu.memory_space<vmem_shared>>
      tpu.wait_dma2 semaphore(%run_scoped3A : memref<!tpu.dma_semaphore, #tpu.memory_space<semaphore_mem>>) src(%arg9 : memref<640xf32, #tpu.memory_space<vmem>>) dst(%dma_wait3A_153 : memref<640xf32, #tpu.memory_space<vmem_shared>>)
      tpu.yield
    }) : () -> ()
    %dma_wait3A = arith.constant 0 : i32
    %dma_wait3A_23 = tpu.memref_slice %arg2[%dma_wait3A, %mul3A_2] : memref<2x320000xi32, #tpu.memory_space<hbm>> -> memref<2x9984xi32, #tpu.memory_space<hbm>>
    %dma_wait3A_24 = arith.constant 0 : i32
    %dma_wait3A_25 = tpu.memref_slice %arg2[%dma_wait3A_24, %mul3A_2] : memref<2x320000xi32, #tpu.memory_space<hbm>> -> memref<2x9984xi32, #tpu.memory_space<hbm>>
    tpu.wait_dma2 semaphore(%arg11 : memref<!tpu.dma_semaphore, #tpu.memory_space<semaphore_mem>>) src(%dma_wait3A_25 : memref<2x9984xi32, #tpu.memory_space<hbm>>) dst(%arg4 : memref<2x9984xi32, #tpu.memory_space<vmem>>)
    %barrier3A = arith.constant 0 : index
    tpu.barrier barrier_id(%barrier3A)
    %lt3A_26 = arith.constant 4 : i32
    %lt3A_27 = arith.cmpi slt, %add3A, %lt3A_26 : i32
    %convert_element_type3A_28 = arith.extui %lt3A_27 : i1 to i32
    %cond3A_29 = arith.constant 0 : i32
    %cond3A_30 = arith.cmpi ne, %convert_element_type3A_28, %cond3A_29 : i32
    scf.if %cond3A_30 {
      %scan3A_150 = arith.constant 0 : i32
      %scan3A_151 = arith.constant 0 : i32
      %scan3A_152 = arith.constant 8 : i32
      %scan3A_153 = arith.addi %scan3A_151, %scan3A_152 : i32
      %scan3A_154 = arith.constant 1 : i32
      %scan3A_155 = scf.for %scan3A_157 = %scan3A_151 to %scan3A_153 step %scan3A_154 iter_args(%scan3A_158 = %scan3A_150) -> (i32)  : i32 {
        %mul3A_159 = arith.constant 16 : i32
        %mul3A_160 = arith.muli %scan3A_157, %mul3A_159 : i32
        %get3A = arith.constant 1 : i32
        %get3A_161 = arith.index_cast %get3A : i32 to index
        %get3A_162 = arith.index_cast %mul3A_160 : i32 to index
        %get3A_163 = tpu.vector_load %arg6[%get3A_161, %get3A_162] {strides = array<i32>} : memref<2x128xi32, #tpu.memory_space<vmem>>, vector<1x16xi32>,
        %get3A_164 = vector.shape_cast %get3A_163 : vector<1x16xi32> to vector<16xi32>
        %mul3A_165 = arith.constant 16 : i32
        %mul3A_166 = arith.muli %scan3A_157, %mul3A_165 : i32
        %swap3A = arith.index_cast %mul3A_166 : i32 to index
        %swap3A_167 = tpu.vector_load %arg7[%swap3A] {strides = array<i32>} : memref<128xi32, #tpu.memory_space<vmem>>, vector<16xi32>,
        %swap3A_168 = vector.shape_cast %swap3A_167 : vector<16xi32> to vector<16xi32>
        %swap3A_169 = vector.shape_cast %get3A_164 : vector<16xi32> to vector<16xi32>
        tpu.vector_store %arg7[%swap3A], %swap3A_169 {strides = array<i32>} : memref<128xi32, #tpu.memory_space<vmem>>, vector<16xi32>,
        %scan3A_170 = arith.constant 0 : i32
        scf.yield %scan3A_170 : i32
      }
      %scan3A_156 = arith.constant 8 : i32
      "tpu.region"() ({
        %run_scoped3A = tpu.sem_alloc : memref<!tpu.dma_semaphore, #tpu.memory_space<semaphore_mem>>
        %dma_start3A_157 = arith.constant 0 : i32
        %dma_start3A_158 = tpu.memref_slice %arg8[%dma_start3A_157] : memref<9984xf32, #tpu.memory_space<vmem>> -> memref<128xf32, #tpu.memory_space<vmem>>
        %dma_start3A_159 = arith.constant 0 : i32
        %dma_start3A_160 = tpu.memref_slice %arg10[%dma_start3A_159] : memref<10240xf32, #tpu.memory_space<vmem_shared>> -> memref<10240xf32, #tpu.memory_space<vmem_shared>>
        tpu.enqueue_indirect_dma source(%dma_start3A_158 : memref<128xf32, #tpu.memory_space<vmem>>) target(%dma_start3A_160 : memref<10240xf32, #tpu.memory_space<vmem_shared>>) offsets(%arg7 : memref<128xi32, #tpu.memory_space<vmem>>) semaphore(%run_scoped3A : memref<!tpu.dma_semaphore, #tpu.memory_space<semaphore_mem>>) {add = true}
        %dma_wait3A_161 = arith.constant 0 : i32
        %dma_wait3A_162 = tpu.memref_slice %arg8[%dma_wait3A_161] : memref<9984xf32, #tpu.memory_space<vmem>> -> memref<128xf32, #tpu.memory_space<vmem>>
        %dma_wait3A_163 = arith.constant 0 : i32
        %dma_wait3A_164 = tpu.memref_slice %arg10[%dma_wait3A_163] : memref<10240xf32, #tpu.memory_space<vmem_shared>> -> memref<10240xf32, #tpu.memory_space<vmem_shared>>
        tpu.wait_indirect_dma semaphore(%run_scoped3A : memref<!tpu.dma_semaphore, #tpu.memory_space<semaphore_mem>>) src(%dma_wait3A_162 : memref<128xf32, #tpu.memory_space<vmem>>) dst(%dma_wait3A_164 : memref<10240xf32, #tpu.memory_space<vmem_shared>>)
        tpu.yield
      }) : () -> ()
    } else {
    }
    %scan3A_31 = arith.constant 0 : i32
    %scan3A_32 = arith.constant 0 : i32
    %scan3A_33 = arith.constant 104 : i32
    %scan3A_34 = arith.addi %scan3A_32, %scan3A_33 : i32
    %scan3A_35 = arith.constant 1 : i32
    %scan3A_36 = scf.for %scan3A_150 = %scan3A_32 to %scan3A_34 step %scan3A_35 iter_args(%scan3A_151 = %scan3A_31) -> (i32)  : i32 {
      %mul3A_152 = arith.constant 16 : i32
      %mul3A_153 = arith.muli %scan3A_150, %mul3A_152 : i32
      %add3A_154 = arith.constant 0 : i32
      %add3A_155 = arith.addi %add3A_154, %mul3A_153 : i32
      %get3A = arith.constant 1 : i32
      %get3A_156 = arith.index_cast %get3A : i32 to index
      %get3A_157 = arith.index_cast %add3A_155 : i32 to index
      %get3A_158 = tpu.vector_load %arg4[%get3A_156, %get3A_157] {strides = array<i32>} : memref<2x9984xi32, #tpu.memory_space<vmem>>, vector<1x16xi32>,
      %get3A_159 = vector.shape_cast %get3A_158 : vector<1x16xi32> to vector<16xi32>
      %mul3A_160 = arith.constant 16 : i32
      %mul3A_161 = arith.muli %scan3A_150, %mul3A_160 : i32
      %add3A_162 = arith.constant 0 : i32
      %add3A_163 = arith.addi %add3A_162, %mul3A_161 : i32
      %swap3A = arith.index_cast %add3A_163 : i32 to index
      %swap3A_164 = tpu.vector_load %arg5[%swap3A] {strides = array<i32>} : memref<9984xi32, #tpu.memory_space<vmem>>, vector<16xi32>,
      %swap3A_165 = vector.shape_cast %swap3A_164 : vector<16xi32> to vector<16xi32>
      %swap3A_166 = vector.shape_cast %get3A_159 : vector<16xi32> to vector<16xi32>
      tpu.vector_store %arg5[%swap3A], %swap3A_166 {strides = array<i32>} : memref<9984xi32, #tpu.memory_space<vmem>>, vector<16xi32>,
      %scan3A_167 = arith.constant 0 : i32
      scf.yield %scan3A_167 : i32
    }
    %scan3A_37 = arith.constant 104 : i32
    %dma_start3A_38 = arith.constant 0 : i32
    %dma_start3A_39 = tpu.memref_slice %arg8[%dma_start3A_38] : memref<9984xf32, #tpu.memory_space<vmem>> -> memref<1664xf32, #tpu.memory_space<vmem>>
    %dma_start3A_40 = arith.constant 0 : i32
    %dma_start3A_41 = tpu.memref_slice %arg5[%dma_start3A_40] : memref<9984xi32, #tpu.memory_space<vmem>> -> memref<1664xi32, #tpu.memory_space<vmem>>
    %dma_start3A_42 = arith.constant 0 : i32
    %dma_start3A_43 = tpu.memref_slice %arg10[%dma_start3A_42] : memref<10240xf32, #tpu.memory_space<vmem_shared>> -> memref<10240xf32, #tpu.memory_space<vmem_shared>>
    tpu.enqueue_indirect_dma source(%dma_start3A_39 : memref<1664xf32, #tpu.memory_space<vmem>>) target(%dma_start3A_43 : memref<10240xf32, #tpu.memory_space<vmem_shared>>) offsets(%dma_start3A_41 : memref<1664xi32, #tpu.memory_space<vmem>>) semaphore(%arg12 : memref<!tpu.dma_semaphore, #tpu.memory_space<semaphore_mem>>) {add = true}
    %scan3A_44 = arith.constant 0 : i32
    %scan3A_45 = arith.constant 0 : i32
    %scan3A_46 = arith.constant 104 : i32
    %scan3A_47 = arith.addi %scan3A_45, %scan3A_46 : i32
    %scan3A_48 = arith.constant 1 : i32
    %scan3A_49 = scf.for %scan3A_150 = %scan3A_45 to %scan3A_47 step %scan3A_48 iter_args(%scan3A_151 = %scan3A_44) -> (i32)  : i32 {
      %mul3A_152 = arith.constant 16 : i32
      %mul3A_153 = arith.muli %scan3A_150, %mul3A_152 : i32
      %add3A_154 = arith.constant 1664 : i32
      %add3A_155 = arith.addi %add3A_154, %mul3A_153 : i32
      %get3A = arith.constant 1 : i32
      %get3A_156 = arith.index_cast %get3A : i32 to index
      %get3A_157 = arith.index_cast %add3A_155 : i32 to index
      %get3A_158 = tpu.vector_load %arg4[%get3A_156, %get3A_157] {strides = array<i32>} : memref<2x9984xi32, #tpu.memory_space<vmem>>, vector<1x16xi32>,
      %get3A_159 = vector.shape_cast %get3A_158 : vector<1x16xi32> to vector<16xi32>
      %mul3A_160 = arith.constant 16 : i32
      %mul3A_161 = arith.muli %scan3A_150, %mul3A_160 : i32
      %add3A_162 = arith.constant 1664 : i32
      %add3A_163 = arith.addi %add3A_162, %mul3A_161 : i32
      %swap3A = arith.index_cast %add3A_163 : i32 to index
      %swap3A_164 = tpu.vector_load %arg5[%swap3A] {strides = array<i32>} : memref<9984xi32, #tpu.memory_space<vmem>>, vector<16xi32>,
      %swap3A_165 = vector.shape_cast %swap3A_164 : vector<16xi32> to vector<16xi32>
      %swap3A_166 = vector.shape_cast %get3A_159 : vector<16xi32> to vector<16xi32>
      tpu.vector_store %arg5[%swap3A], %swap3A_166 {strides = array<i32>} : memref<9984xi32, #tpu.memory_space<vmem>>, vector<16xi32>,
      %scan3A_167 = arith.constant 0 : i32
      scf.yield %scan3A_167 : i32
    }
    %scan3A_50 = arith.constant 104 : i32
    %dma_start3A_51 = arith.constant 1664 : i32
    %dma_start3A_52 = tpu.memref_slice %arg8[%dma_start3A_51] : memref<9984xf32, #tpu.memory_space<vmem>> -> memref<1664xf32, #tpu.memory_space<vmem>>
    %dma_start3A_53 = arith.constant 1664 : i32
    %dma_start3A_54 = tpu.memref_slice %arg5[%dma_start3A_53] : memref<9984xi32, #tpu.memory_space<vmem>> -> memref<1664xi32, #tpu.memory_space<vmem>>
    %dma_start3A_55 = arith.constant 0 : i32
    %dma_start3A_56 = tpu.memref_slice %arg10[%dma_start3A_55] : memref<10240xf32, #tpu.memory_space<vmem_shared>> -> memref<10240xf32, #tpu.memory_space<vmem_shared>>
    tpu.enqueue_indirect_dma source(%dma_start3A_52 : memref<1664xf32, #tpu.memory_space<vmem>>) target(%dma_start3A_56 : memref<10240xf32, #tpu.memory_space<vmem_shared>>) offsets(%dma_start3A_54 : memref<1664xi32, #tpu.memory_space<vmem>>) semaphore(%arg12 : memref<!tpu.dma_semaphore, #tpu.memory_space<semaphore_mem>>) {add = true}
    %scan3A_57 = arith.constant 0 : i32
    %scan3A_58 = arith.constant 0 : i32
    %scan3A_59 = arith.constant 104 : i32
    %scan3A_60 = arith.addi %scan3A_58, %scan3A_59 : i32
    %scan3A_61 = arith.constant 1 : i32
    %scan3A_62 = scf.for %scan3A_150 = %scan3A_58 to %scan3A_60 step %scan3A_61 iter_args(%scan3A_151 = %scan3A_57) -> (i32)  : i32 {
      %mul3A_152 = arith.constant 16 : i32
      %mul3A_153 = arith.muli %scan3A_150, %mul3A_152 : i32
      %add3A_154 = arith.constant 3328 : i32
      %add3A_155 = arith.addi %add3A_154, %mul3A_153 : i32
      %get3A = arith.constant 1 : i32
      %get3A_156 = arith.index_cast %get3A : i32 to index
      %get3A_157 = arith.index_cast %add3A_155 : i32 to index
      %get3A_158 = tpu.vector_load %arg4[%get3A_156, %get3A_157] {strides = array<i32>} : memref<2x9984xi32, #tpu.memory_space<vmem>>, vector<1x16xi32>,
      %get3A_159 = vector.shape_cast %get3A_158 : vector<1x16xi32> to vector<16xi32>
      %mul3A_160 = arith.constant 16 : i32
      %mul3A_161 = arith.muli %scan3A_150, %mul3A_160 : i32
      %add3A_162 = arith.constant 3328 : i32
      %add3A_163 = arith.addi %add3A_162, %mul3A_161 : i32
      %swap3A = arith.index_cast %add3A_163 : i32 to index
      %swap3A_164 = tpu.vector_load %arg5[%swap3A] {strides = array<i32>} : memref<9984xi32, #tpu.memory_space<vmem>>, vector<16xi32>,
      %swap3A_165 = vector.shape_cast %swap3A_164 : vector<16xi32> to vector<16xi32>
      %swap3A_166 = vector.shape_cast %get3A_159 : vector<16xi32> to vector<16xi32>
      tpu.vector_store %arg5[%swap3A], %swap3A_166 {strides = array<i32>} : memref<9984xi32, #tpu.memory_space<vmem>>, vector<16xi32>,
      %scan3A_167 = arith.constant 0 : i32
      scf.yield %scan3A_167 : i32
    }
    %scan3A_63 = arith.constant 104 : i32
    %dma_start3A_64 = arith.constant 3328 : i32
    %dma_start3A_65 = tpu.memref_slice %arg8[%dma_start3A_64] : memref<9984xf32, #tpu.memory_space<vmem>> -> memref<1664xf32, #tpu.memory_space<vmem>>
    %dma_start3A_66 = arith.constant 3328 : i32
    %dma_start3A_67 = tpu.memref_slice %arg5[%dma_start3A_66] : memref<9984xi32, #tpu.memory_space<vmem>> -> memref<1664xi32, #tpu.memory_space<vmem>>
    %dma_start3A_68 = arith.constant 0 : i32
    %dma_start3A_69 = tpu.memref_slice %arg10[%dma_start3A_68] : memref<10240xf32, #tpu.memory_space<vmem_shared>> -> memref<10240xf32, #tpu.memory_space<vmem_shared>>
    tpu.enqueue_indirect_dma source(%dma_start3A_65 : memref<1664xf32, #tpu.memory_space<vmem>>) target(%dma_start3A_69 : memref<10240xf32, #tpu.memory_space<vmem_shared>>) offsets(%dma_start3A_67 : memref<1664xi32, #tpu.memory_space<vmem>>) semaphore(%arg12 : memref<!tpu.dma_semaphore, #tpu.memory_space<semaphore_mem>>) {add = true}
    %scan3A_70 = arith.constant 0 : i32
    %scan3A_71 = arith.constant 0 : i32
    %scan3A_72 = arith.constant 104 : i32
    %scan3A_73 = arith.addi %scan3A_71, %scan3A_72 : i32
    %scan3A_74 = arith.constant 1 : i32
    %scan3A_75 = scf.for %scan3A_150 = %scan3A_71 to %scan3A_73 step %scan3A_74 iter_args(%scan3A_151 = %scan3A_70) -> (i32)  : i32 {
      %mul3A_152 = arith.constant 16 : i32
      %mul3A_153 = arith.muli %scan3A_150, %mul3A_152 : i32
      %add3A_154 = arith.constant 4992 : i32
      %add3A_155 = arith.addi %add3A_154, %mul3A_153 : i32
      %get3A = arith.constant 1 : i32
      %get3A_156 = arith.index_cast %get3A : i32 to index
      %get3A_157 = arith.index_cast %add3A_155 : i32 to index
      %get3A_158 = tpu.vector_load %arg4[%get3A_156, %get3A_157] {strides = array<i32>} : memref<2x9984xi32, #tpu.memory_space<vmem>>, vector<1x16xi32>,
      %get3A_159 = vector.shape_cast %get3A_158 : vector<1x16xi32> to vector<16xi32>
      %mul3A_160 = arith.constant 16 : i32
      %mul3A_161 = arith.muli %scan3A_150, %mul3A_160 : i32
      %add3A_162 = arith.constant 4992 : i32
      %add3A_163 = arith.addi %add3A_162, %mul3A_161 : i32
      %swap3A = arith.index_cast %add3A_163 : i32 to index
      %swap3A_164 = tpu.vector_load %arg5[%swap3A] {strides = array<i32>} : memref<9984xi32, #tpu.memory_space<vmem>>, vector<16xi32>,
      %swap3A_165 = vector.shape_cast %swap3A_164 : vector<16xi32> to vector<16xi32>
      %swap3A_166 = vector.shape_cast %get3A_159 : vector<16xi32> to vector<16xi32>
      tpu.vector_store %arg5[%swap3A], %swap3A_166 {strides = array<i32>} : memref<9984xi32, #tpu.memory_space<vmem>>, vector<16xi32>,
      %scan3A_167 = arith.constant 0 : i32
      scf.yield %scan3A_167 : i32
    }
    %scan3A_76 = arith.constant 104 : i32
    %dma_start3A_77 = arith.constant 4992 : i32
    %dma_start3A_78 = tpu.memref_slice %arg8[%dma_start3A_77] : memref<9984xf32, #tpu.memory_space<vmem>> -> memref<1664xf32, #tpu.memory_space<vmem>>
    %dma_start3A_79 = arith.constant 4992 : i32
    %dma_start3A_80 = tpu.memref_slice %arg5[%dma_start3A_79] : memref<9984xi32, #tpu.memory_space<vmem>> -> memref<1664xi32, #tpu.memory_space<vmem>>
    %dma_start3A_81 = arith.constant 0 : i32
    %dma_start3A_82 = tpu.memref_slice %arg10[%dma_start3A_81] : memref<10240xf32, #tpu.memory_space<vmem_shared>> -> memref<10240xf32, #tpu.memory_space<vmem_shared>>
    tpu.enqueue_indirect_dma source(%dma_start3A_78 : memref<1664xf32, #tpu.memory_space<vmem>>) target(%dma_start3A_82 : memref<10240xf32, #tpu.memory_space<vmem_shared>>) offsets(%dma_start3A_80 : memref<1664xi32, #tpu.memory_space<vmem>>) semaphore(%arg12 : memref<!tpu.dma_semaphore, #tpu.memory_space<semaphore_mem>>) {add = true}
    %scan3A_83 = arith.constant 0 : i32
    %scan3A_84 = arith.constant 0 : i32
    %scan3A_85 = arith.constant 104 : i32
    %scan3A_86 = arith.addi %scan3A_84, %scan3A_85 : i32
    %scan3A_87 = arith.constant 1 : i32
    %scan3A_88 = scf.for %scan3A_150 = %scan3A_84 to %scan3A_86 step %scan3A_87 iter_args(%scan3A_151 = %scan3A_83) -> (i32)  : i32 {
      %mul3A_152 = arith.constant 16 : i32
      %mul3A_153 = arith.muli %scan3A_150, %mul3A_152 : i32
      %add3A_154 = arith.constant 6656 : i32
      %add3A_155 = arith.addi %add3A_154, %mul3A_153 : i32
      %get3A = arith.constant 1 : i32
      %get3A_156 = arith.index_cast %get3A : i32 to index
      %get3A_157 = arith.index_cast %add3A_155 : i32 to index
      %get3A_158 = tpu.vector_load %arg4[%get3A_156, %get3A_157] {strides = array<i32>} : memref<2x9984xi32, #tpu.memory_space<vmem>>, vector<1x16xi32>,
      %get3A_159 = vector.shape_cast %get3A_158 : vector<1x16xi32> to vector<16xi32>
      %mul3A_160 = arith.constant 16 : i32
      %mul3A_161 = arith.muli %scan3A_150, %mul3A_160 : i32
      %add3A_162 = arith.constant 6656 : i32
      %add3A_163 = arith.addi %add3A_162, %mul3A_161 : i32
      %swap3A = arith.index_cast %add3A_163 : i32 to index
      %swap3A_164 = tpu.vector_load %arg5[%swap3A] {strides = array<i32>} : memref<9984xi32, #tpu.memory_space<vmem>>, vector<16xi32>,
      %swap3A_165 = vector.shape_cast %swap3A_164 : vector<16xi32> to vector<16xi32>
      %swap3A_166 = vector.shape_cast %get3A_159 : vector<16xi32> to vector<16xi32>
      tpu.vector_store %arg5[%swap3A], %swap3A_166 {strides = array<i32>} : memref<9984xi32, #tpu.memory_space<vmem>>, vector<16xi32>,
      %scan3A_167 = arith.constant 0 : i32
      scf.yield %scan3A_167 : i32
    }
    %scan3A_89 = arith.constant 104 : i32
    %dma_start3A_90 = arith.constant 6656 : i32
    %dma_start3A_91 = tpu.memref_slice %arg8[%dma_start3A_90] : memref<9984xf32, #tpu.memory_space<vmem>> -> memref<1664xf32, #tpu.memory_space<vmem>>
    %dma_start3A_92 = arith.constant 6656 : i32
    %dma_start3A_93 = tpu.memref_slice %arg5[%dma_start3A_92] : memref<9984xi32, #tpu.memory_space<vmem>> -> memref<1664xi32, #tpu.memory_space<vmem>>
    %dma_start3A_94 = arith.constant 0 : i32
    %dma_start3A_95 = tpu.memref_slice %arg10[%dma_start3A_94] : memref<10240xf32, #tpu.memory_space<vmem_shared>> -> memref<10240xf32, #tpu.memory_space<vmem_shared>>
    tpu.enqueue_indirect_dma source(%dma_start3A_91 : memref<1664xf32, #tpu.memory_space<vmem>>) target(%dma_start3A_95 : memref<10240xf32, #tpu.memory_space<vmem_shared>>) offsets(%dma_start3A_93 : memref<1664xi32, #tpu.memory_space<vmem>>) semaphore(%arg12 : memref<!tpu.dma_semaphore, #tpu.memory_space<semaphore_mem>>) {add = true}
    %scan3A_96 = arith.constant 0 : i32
    %scan3A_97 = arith.constant 0 : i32
    %scan3A_98 = arith.constant 104 : i32
    %scan3A_99 = arith.addi %scan3A_97, %scan3A_98 : i32
    %scan3A_100 = arith.constant 1 : i32
    %scan3A_101 = scf.for %scan3A_150 = %scan3A_97 to %scan3A_99 step %scan3A_100 iter_args(%scan3A_151 = %scan3A_96) -> (i32)  : i32 {
      %mul3A_152 = arith.constant 16 : i32
      %mul3A_153 = arith.muli %scan3A_150, %mul3A_152 : i32
      %add3A_154 = arith.constant 8320 : i32
      %add3A_155 = arith.addi %add3A_154, %mul3A_153 : i32
      %get3A = arith.constant 1 : i32
      %get3A_156 = arith.index_cast %get3A : i32 to index
      %get3A_157 = arith.index_cast %add3A_155 : i32 to index
      %get3A_158 = tpu.vector_load %arg4[%get3A_156, %get3A_157] {strides = array<i32>} : memref<2x9984xi32, #tpu.memory_space<vmem>>, vector<1x16xi32>,
      %get3A_159 = vector.shape_cast %get3A_158 : vector<1x16xi32> to vector<16xi32>
      %mul3A_160 = arith.constant 16 : i32
      %mul3A_161 = arith.muli %scan3A_150, %mul3A_160 : i32
      %add3A_162 = arith.constant 8320 : i32
      %add3A_163 = arith.addi %add3A_162, %mul3A_161 : i32
      %swap3A = arith.index_cast %add3A_163 : i32 to index
      %swap3A_164 = tpu.vector_load %arg5[%swap3A] {strides = array<i32>} : memref<9984xi32, #tpu.memory_space<vmem>>, vector<16xi32>,
      %swap3A_165 = vector.shape_cast %swap3A_164 : vector<16xi32> to vector<16xi32>
      %swap3A_166 = vector.shape_cast %get3A_159 : vector<16xi32> to vector<16xi32>
      tpu.vector_store %arg5[%swap3A], %swap3A_166 {strides = array<i32>} : memref<9984xi32, #tpu.memory_space<vmem>>, vector<16xi32>,
      %scan3A_167 = arith.constant 0 : i32
      scf.yield %scan3A_167 : i32
    }
    %scan3A_102 = arith.constant 104 : i32
    %dma_start3A_103 = arith.constant 8320 : i32
    %dma_start3A_104 = tpu.memref_slice %arg8[%dma_start3A_103] : memref<9984xf32, #tpu.memory_space<vmem>> -> memref<1664xf32, #tpu.memory_space<vmem>>
    %dma_start3A_105 = arith.constant 8320 : i32
    %dma_start3A_106 = tpu.memref_slice %arg5[%dma_start3A_105] : memref<9984xi32, #tpu.memory_space<vmem>> -> memref<1664xi32, #tpu.memory_space<vmem>>
    %dma_start3A_107 = arith.constant 0 : i32
    %dma_start3A_108 = tpu.memref_slice %arg10[%dma_start3A_107] : memref<10240xf32, #tpu.memory_space<vmem_shared>> -> memref<10240xf32, #tpu.memory_space<vmem_shared>>
    tpu.enqueue_indirect_dma source(%dma_start3A_104 : memref<1664xf32, #tpu.memory_space<vmem>>) target(%dma_start3A_108 : memref<10240xf32, #tpu.memory_space<vmem_shared>>) offsets(%dma_start3A_106 : memref<1664xi32, #tpu.memory_space<vmem>>) semaphore(%arg12 : memref<!tpu.dma_semaphore, #tpu.memory_space<semaphore_mem>>) {add = true}
    %dma_wait3A_109 = arith.constant 0 : i32
    %dma_wait3A_110 = tpu.memref_slice %arg8[%dma_wait3A_109] : memref<9984xf32, #tpu.memory_space<vmem>> -> memref<1664xf32, #tpu.memory_space<vmem>>
    %dma_wait3A_111 = arith.constant 0 : i32
    %dma_wait3A_112 = tpu.memref_slice %arg5[%dma_wait3A_111] : memref<9984xi32, #tpu.memory_space<vmem>> -> memref<1664xi32, #tpu.memory_space<vmem>>
    %dma_wait3A_113 = arith.constant 0 : i32
    %dma_wait3A_114 = tpu.memref_slice %arg10[%dma_wait3A_113] : memref<10240xf32, #tpu.memory_space<vmem_shared>> -> memref<10240xf32, #tpu.memory_space<vmem_shared>>
    tpu.wait_indirect_dma semaphore(%arg12 : memref<!tpu.dma_semaphore, #tpu.memory_space<semaphore_mem>>) src(%dma_wait3A_110 : memref<1664xf32, #tpu.memory_space<vmem>>) dst(%dma_wait3A_114 : memref<10240xf32, #tpu.memory_space<vmem_shared>>)
    %dma_wait3A_115 = arith.constant 1664 : i32
    %dma_wait3A_116 = tpu.memref_slice %arg8[%dma_wait3A_115] : memref<9984xf32, #tpu.memory_space<vmem>> -> memref<1664xf32, #tpu.memory_space<vmem>>
    %dma_wait3A_117 = arith.constant 1664 : i32
    %dma_wait3A_118 = tpu.memref_slice %arg5[%dma_wait3A_117] : memref<9984xi32, #tpu.memory_space<vmem>> -> memref<1664xi32, #tpu.memory_space<vmem>>
    %dma_wait3A_119 = arith.constant 0 : i32
    %dma_wait3A_120 = tpu.memref_slice %arg10[%dma_wait3A_119] : memref<10240xf32, #tpu.memory_space<vmem_shared>> -> memref<10240xf32, #tpu.memory_space<vmem_shared>>
    tpu.wait_indirect_dma semaphore(%arg12 : memref<!tpu.dma_semaphore, #tpu.memory_space<semaphore_mem>>) src(%dma_wait3A_116 : memref<1664xf32, #tpu.memory_space<vmem>>) dst(%dma_wait3A_120 : memref<10240xf32, #tpu.memory_space<vmem_shared>>)
    %dma_wait3A_121 = arith.constant 3328 : i32
    %dma_wait3A_122 = tpu.memref_slice %arg8[%dma_wait3A_121] : memref<9984xf32, #tpu.memory_space<vmem>> -> memref<1664xf32, #tpu.memory_space<vmem>>
    %dma_wait3A_123 = arith.constant 3328 : i32
    %dma_wait3A_124 = tpu.memref_slice %arg5[%dma_wait3A_123] : memref<9984xi32, #tpu.memory_space<vmem>> -> memref<1664xi32, #tpu.memory_space<vmem>>
    %dma_wait3A_125 = arith.constant 0 : i32
    %dma_wait3A_126 = tpu.memref_slice %arg10[%dma_wait3A_125] : memref<10240xf32, #tpu.memory_space<vmem_shared>> -> memref<10240xf32, #tpu.memory_space<vmem_shared>>
    tpu.wait_indirect_dma semaphore(%arg12 : memref<!tpu.dma_semaphore, #tpu.memory_space<semaphore_mem>>) src(%dma_wait3A_122 : memref<1664xf32, #tpu.memory_space<vmem>>) dst(%dma_wait3A_126 : memref<10240xf32, #tpu.memory_space<vmem_shared>>)
    %dma_wait3A_127 = arith.constant 4992 : i32
    %dma_wait3A_128 = tpu.memref_slice %arg8[%dma_wait3A_127] : memref<9984xf32, #tpu.memory_space<vmem>> -> memref<1664xf32, #tpu.memory_space<vmem>>
    %dma_wait3A_129 = arith.constant 4992 : i32
    %dma_wait3A_130 = tpu.memref_slice %arg5[%dma_wait3A_129] : memref<9984xi32, #tpu.memory_space<vmem>> -> memref<1664xi32, #tpu.memory_space<vmem>>
    %dma_wait3A_131 = arith.constant 0 : i32
    %dma_wait3A_132 = tpu.memref_slice %arg10[%dma_wait3A_131] : memref<10240xf32, #tpu.memory_space<vmem_shared>> -> memref<10240xf32, #tpu.memory_space<vmem_shared>>
    tpu.wait_indirect_dma semaphore(%arg12 : memref<!tpu.dma_semaphore, #tpu.memory_space<semaphore_mem>>) src(%dma_wait3A_128 : memref<1664xf32, #tpu.memory_space<vmem>>) dst(%dma_wait3A_132 : memref<10240xf32, #tpu.memory_space<vmem_shared>>)
    %dma_wait3A_133 = arith.constant 6656 : i32
    %dma_wait3A_134 = tpu.memref_slice %arg8[%dma_wait3A_133] : memref<9984xf32, #tpu.memory_space<vmem>> -> memref<1664xf32, #tpu.memory_space<vmem>>
    %dma_wait3A_135 = arith.constant 6656 : i32
    %dma_wait3A_136 = tpu.memref_slice %arg5[%dma_wait3A_135] : memref<9984xi32, #tpu.memory_space<vmem>> -> memref<1664xi32, #tpu.memory_space<vmem>>
    %dma_wait3A_137 = arith.constant 0 : i32
    %dma_wait3A_138 = tpu.memref_slice %arg10[%dma_wait3A_137] : memref<10240xf32, #tpu.memory_space<vmem_shared>> -> memref<10240xf32, #tpu.memory_space<vmem_shared>>
    tpu.wait_indirect_dma semaphore(%arg12 : memref<!tpu.dma_semaphore, #tpu.memory_space<semaphore_mem>>) src(%dma_wait3A_134 : memref<1664xf32, #tpu.memory_space<vmem>>) dst(%dma_wait3A_138 : memref<10240xf32, #tpu.memory_space<vmem_shared>>)
    %dma_wait3A_139 = arith.constant 8320 : i32
    %dma_wait3A_140 = tpu.memref_slice %arg8[%dma_wait3A_139] : memref<9984xf32, #tpu.memory_space<vmem>> -> memref<1664xf32, #tpu.memory_space<vmem>>
    %dma_wait3A_141 = arith.constant 8320 : i32
    %dma_wait3A_142 = tpu.memref_slice %arg5[%dma_wait3A_141] : memref<9984xi32, #tpu.memory_space<vmem>> -> memref<1664xi32, #tpu.memory_space<vmem>>
    %dma_wait3A_143 = arith.constant 0 : i32
    %dma_wait3A_144 = tpu.memref_slice %arg10[%dma_wait3A_143] : memref<10240xf32, #tpu.memory_space<vmem_shared>> -> memref<10240xf32, #tpu.memory_space<vmem_shared>>
    tpu.wait_indirect_dma semaphore(%arg12 : memref<!tpu.dma_semaphore, #tpu.memory_space<semaphore_mem>>) src(%dma_wait3A_140 : memref<1664xf32, #tpu.memory_space<vmem>>) dst(%dma_wait3A_144 : memref<10240xf32, #tpu.memory_space<vmem_shared>>)
    %barrier3A_145 = arith.constant 0 : index
    tpu.barrier barrier_id(%barrier3A_145)
    %eq3A = arith.constant 0 : i32
    %eq3A_146 = arith.cmpi eq, %arg1, %eq3A : i32
    %convert_element_type3A_147 = arith.extui %eq3A_146 : i1 to i32
    %cond3A_148 = arith.constant 0 : i32
    %cond3A_149 = arith.cmpi ne, %convert_element_type3A_147, %cond3A_148 : i32
    scf.if %cond3A_149 {
      "tpu.region"() ({
        %run_scoped3A = tpu.sem_alloc : memref<!tpu.dma_semaphore, #tpu.memory_space<semaphore_mem>>
        %dma_start3A_150 = arith.constant 0 : i32
        %dma_start3A_151 = tpu.memref_slice %arg3[%arg0, %dma_start3A_150] : memref<2x10240xf32, #tpu.memory_space<hbm>> -> memref<1x10240xf32, #tpu.memory_space<hbm>>
        %dma_start3A_152 = tpu.memref_squeeze %dma_start3A_151 : memref<1x10240xf32, #tpu.memory_space<hbm>> -> memref<10240xf32, #tpu.memory_space<hbm>>
        tpu.enqueue_dma source(%arg10 : memref<10240xf32, #tpu.memory_space<vmem_shared>>) target(%dma_start3A_152 : memref<10240xf32, #tpu.memory_space<hbm>>) target_semaphore(%run_scoped3A : memref<!tpu.dma_semaphore, #tpu.memory_space<semaphore_mem>>)
        %dma_wait3A_153 = arith.constant 0 : i32
        %dma_wait3A_154 = tpu.memref_slice %arg3[%arg0, %dma_wait3A_153] : memref<2x10240xf32, #tpu.memory_space<hbm>> -> memref<1x10240xf32, #tpu.memory_space<hbm>>
        %dma_wait3A_155 = tpu.memref_squeeze %dma_wait3A_154 : memref<1x10240xf32, #tpu.memory_space<hbm>> -> memref<10240xf32, #tpu.memory_space<hbm>>
        tpu.wait_dma2 semaphore(%run_scoped3A : memref<!tpu.dma_semaphore, #tpu.memory_space<semaphore_mem>>) src(%arg10 : memref<10240xf32, #tpu.memory_space<vmem_shared>>) dst(%dma_wait3A_155 : memref<10240xf32, #tpu.memory_space<hbm>>)
        tpu.yield
      }) : () -> ()
    } else {
    }
    return
  }
}

module attributes {stable_mosaic.version = 14 : i64} {
  func.func @_scale_body(%arg0: i32, %arg1: memref<2x2048xf32, #tpu.memory_space<vmem>>, %arg2: memref<2048x128xf32, #tpu.memory_space<vmem>>, %arg3: memref<2048x128xf32, #tpu.memory_space<vmem>>) attributes {dimension_semantics = [#tpu.dimension_semantics<arbitrary>], iteration_bounds = array<i64: 5>, scalar_prefetch = 0 : i64, scratch_operands = 0 : i64, tpu.core_type = #tpu.core_type<tc>, window_params = [{transform_indices = @transform_0, window_bounds = array<i64: 2, 2048>}, {transform_indices = @transform_1, window_bounds = array<i64: 2048, 128>}, {transform_indices = @transform_2, window_bounds = array<i64: 2048, 128>}]} {
    %get3A = arith.constant 0 : index
    %get3A_0 = arith.constant 0 : index
    %get3A_1 = vector.load %arg1[%get3A, %get3A_0] : memref<2x2048xf32, #tpu.memory_space<vmem>>, vector<1x2048xf32>
    %get3A_2 = vector.shape_cast %get3A_1 : vector<1x2048xf32> to vector<2048xf32>
    %get3A_3 = arith.constant 1 : index
    %get3A_4 = arith.constant 0 : index
    %get3A_5 = vector.load %arg1[%get3A_3, %get3A_4] : memref<2x2048xf32, #tpu.memory_space<vmem>>, vector<1x2048xf32>
    %get3A_6 = vector.shape_cast %get3A_5 : vector<1x2048xf32> to vector<2048xf32>
    %add3A = arith.addf %get3A_2, %get3A_6 : vector<2048xf32>
    %get3A_7 = arith.constant 0 : index
    %get3A_8 = arith.constant 0 : index
    %get3A_9 = vector.load %arg2[%get3A_7, %get3A_8] : memref<2048x128xf32, #tpu.memory_space<vmem>>, vector<2048x128xf32>
    %broadcast_in_dim3A = vector.shape_cast %add3A : vector<2048xf32> to vector<2048x1xf32>
    %mul3A = vector.broadcast %broadcast_in_dim3A : vector<2048x1xf32> to vector<2048x128xf32>
    %mul3A_10 = arith.mulf %get3A_9, %mul3A : vector<2048x128xf32>
    %swap3A = arith.constant 0 : index
    %swap3A_11 = arith.constant 0 : index
    %swap3A_12 = vector.load %arg3[%swap3A, %swap3A_11] : memref<2048x128xf32, #tpu.memory_space<vmem>>, vector<2048x128xf32>
    tpu.vector_store %arg3[%swap3A, %swap3A_11], %mul3A_10 {strides = array<i32>} : memref<2048x128xf32, #tpu.memory_space<vmem>>, vector<2048x128xf32>,
    return
  }
  func.func @transform_0(%arg0: i32) -> (i32, i32) {
    %c0_i32 = arith.constant 0 : i32
    %c0_i32_0 = arith.constant 0 : i32
    return %c0_i32, %arg0 : i32, i32
  }
  func.func @transform_1(%arg0: i32) -> (i32, i32) {
    %c0_i32 = arith.constant 0 : i32
    %c0_i32_0 = arith.constant 0 : i32
    return %arg0, %c0_i32 : i32, i32
  }
  func.func @transform_2(%arg0: i32) -> (i32, i32) {
    %c0_i32 = arith.constant 0 : i32
    %c0_i32_0 = arith.constant 0 : i32
    return %arg0, %c0_i32 : i32, i32
  }
}

module attributes {stable_mosaic.version = 14 : i64} {
  func.func @_mm_body(%arg0: i32, %arg1: memref<2048x128xf32, #tpu.memory_space<vmem>>, %arg2: memref<128x128xf32, #tpu.memory_space<vmem>>, %arg3: memref<2048x128xf32, #tpu.memory_space<vmem>>) attributes {dimension_semantics = [#tpu.dimension_semantics<arbitrary>], iteration_bounds = array<i64: 5>, scalar_prefetch = 0 : i64, scratch_operands = 0 : i64, tpu.core_type = #tpu.core_type<tc>, window_params = [{transform_indices = @transform_0, window_bounds = array<i64: 2048, 128>}, {pipeline_mode = #tpu.pipeline_mode<synchronous>, transform_indices = @transform_1, window_bounds = array<i64: 128, 128>}, {transform_indices = @transform_2, window_bounds = array<i64: 2048, 128>}]} {
    %get3A = arith.constant 0 : index
    %get3A_0 = arith.constant 0 : index
    %get3A_1 = vector.load %arg1[%get3A, %get3A_0] : memref<2048x128xf32, #tpu.memory_space<vmem>>, vector<2048x128xf32>
    %get3A_2 = arith.constant 0 : index
    %get3A_3 = arith.constant 0 : index
    %get3A_4 = vector.load %arg2[%get3A_2, %get3A_3] : memref<128x128xf32, #tpu.memory_space<vmem>>, vector<128x128xf32>
    %dot_general3A = arith.constant dense<0.000000e+00> : vector<2048x128xf32>
    %dot_general3A_5 = tpu.matmul %get3A_1, %get3A_4, %dot_general3A {dimension_numbers = #tpu.dot_dimension_numbers<[1], [0], [0], [1], [0, 0, 1, 1], [], []>, transpose_lhs_hint = false} : vector<2048x128xf32>, vector<128x128xf32>, vector<2048x128xf32> -> vector<2048x128xf32>
    %swap3A = arith.constant 0 : index
    %swap3A_6 = arith.constant 0 : index
    %swap3A_7 = vector.load %arg3[%swap3A, %swap3A_6] : memref<2048x128xf32, #tpu.memory_space<vmem>>, vector<2048x128xf32>
    tpu.vector_store %arg3[%swap3A, %swap3A_6], %dot_general3A_5 {strides = array<i32>} : memref<2048x128xf32, #tpu.memory_space<vmem>>, vector<2048x128xf32>,
    return
  }
  func.func @transform_0(%arg0: i32) -> (i32, i32) {
    %c0_i32 = arith.constant 0 : i32
    %c0_i32_0 = arith.constant 0 : i32
    return %arg0, %c0_i32 : i32, i32
  }
  func.func @transform_1(%arg0: i32) -> (i32, i32) {
    %c0_i32 = arith.constant 0 : i32
    %c0_i32_0 = arith.constant 0 : i32
    %c0_i32_1 = arith.constant 0 : i32
    return %c0_i32, %c0_i32_0 : i32, i32
  }
  func.func @transform_2(%arg0: i32) -> (i32, i32) {
    %c0_i32 = arith.constant 0 : i32
    %c0_i32_0 = arith.constant 0 : i32
    return %arg0, %c0_i32 : i32, i32
  }
}

</mosaic_0001>

<sc_bundles>
// kernel: kernel.5.cloned.1.call-start
scs
__scs_entry_jumppad:
0x0: {  	(pc) =	sbr.rel $0x88, $3  }
0x1: {  	(tag) =	ssettag $0x0;
	lr =	simm.s32 $0x1  }
0x2: {  	[smem:$0x3F9E] =	sst lr;
	_ =	strace $0xD0000000  }
0x3: {  	_ = 	snop  }
0x4: {  	_ = 	snop  }
0x5: {  	_ = 	snop  }
0x6: {  	_ = 	snop  }
0x7: {  	_ = 	snop  }
__scs_overlays_trampoline_lowered:
0x8: {  	[smem:$0x3FAD] =	sst s0  }
0x9: {  	[smem:$0x3FAE] =	sst s1  }
0xa: {  	[smem:$0x3FAF] =	sst s2  }
0xb: {  	[smem:$0x3FB0] =	sst s3  }
0xc: {  	[smem:$0x3FB1] =	sst s4  }
0xd: {  	[smem:$0x3FB2] =	sst s5  }
0xe: {  	[smem:$0x3FB3] =	sst s6  }
0xf: {  	[smem:$0x3FB4] =	sst s7  }
0x10: {  	[smem:$0x3FB5] =	sst s8  }
0x11: {  	[smem:$0x3FB6] =	sst s9;
	s0 =	simm.s32 @!p0 $0x0  }
0x12: {  	s1 =	sld [smem:$0x3F9C];
	s0 =	simm.s32 @p0 $0x1  }
0x13: {  	[smem:$0x3FB7] =	sst s0;
	s0 =	simm.s32 @!p1 $0x0  }
0x14: {  	s2 =	sld [smem:$0x3F9B];
	s0 =	simm.s32 @p1 $0x1  }
0x15: {  	[smem:$0x3FB8] =	sst s0;
	s0 =	simm.s32 @!p2 $0x0  }
0x16: {  	s3 =	sld [smem:$0x3FDB];
	s0 =	simm.s32 @p2 $0x1  }
0x17: {  	s4 =	simm.s32 $0x1BF5;
	[smem:$0x3FBA] =	sst s0  }
0x18: {  	s0 =	sld [smem:$0x3F9D];
	_ =	swait.ge [sflag:s4], $0x0  }
0x19: {  	s7 =	sld [smem:$0x3F9E]  }
0x1a: {  	s8 =	sadd.s32 $0xFFFFE003, lr  }
0x1b: {  	s9 =	sadd.s32 $0xFFFFFEF7, lr;
	s5 =	simm.s32 $0xFFFFFFFF;
	p2 =	slt.u32 s8, $0xFFFFF086  }
0x1c: {  	p1 =	slt.u32 s9, $0xF7A;
	s5 =	simm.s32 @!p2 $0x0  }
0x1d: {  	s5 =	simm.s32 @p1 $0x1;
	p0 =	seq.s32 s7, s2  }
0x1e: {  	s7 =	smul.u32 @!p0 $0xF7A, s2;
	p2 =	seq.s32 @!p0 s5, $0x0  }
0x1f: {  	s9 =	smul.u32 $0xF7A, s1;
	s8 =	simm.s32 @!p0 $0x1BF5;
	p2 =	por !p2, p0  }
0x20: {  	[sflag:s8] =	ssyncset.s32 @!p0 $0xFFFFF086;
	s6 =	sadd.s32 @!p0 s3, s7;
	s7 =	simm.s32 @!p0 $0x108  }
0x21: {  	s3 =	sadd.s32 s3, s9;
	s6 =	sadd.s32 @!p0 $0x88, s6;
	s7 =	simm.s32 @p2 $0x1082  }
0x22: {  	[simem:s7], [sflag:s8] =	dma.local @!p0 [hbm:s6], $0xF7A  }
0x23: {  	s9 =	sor.u32 $0xD0000000, s2;
	s6 =	simm.s32 $0x108;
	_ =	swait.ge @!p0 [sflag:s8], $0x0  }
0x24: {  	s3 =	sadd.s32 $0x88, s3;
	s6 =	simm.s32 @!p1 $0x1082;
	[sflag:s4] =	ssyncset.s32 $0xFFFFF086  }
0x25: {  	[simem:s6], [sflag:s4] =	dma.local [hbm:s3], $0xF7A  }
0x26: {  	[smem:$0x3F9E] =	sst s1;
	(tag) =	ssettag s2;
	_ =	strace s9  }
0x27: {  	s1 =	sld [smem:$0x3FAE]  }
0x28: {  	s2 =	sld [smem:$0x3FAF]  }
0x29: {  	s4 =	sld [smem:$0x3FB1]  }
0x2a: {  	p0 =	seq.s32 s5, $0x0;
	s5 =	sld [smem:$0x3FB2]  }
0x2b: {  	s6 =	sld [smem:$0x3FB3]  }
0x2c: {  	s7 =	sld [smem:$0x3FB4]  }
0x2d: {  	s3 =	simm.s32 $0x108;
	s8 =	sld [smem:$0x3FB5]  }
0x2e: {  	s3 =	simm.s32 @!p0 $0x1082;
	s9 =	sld [smem:$0x3FB6]  }
0x2f: {  	lr =	sadd.s32 s0, s3;
	s0 =	sld [smem:$0x3FAD]  }
0x30: {  	s3 =	sld [smem:$0x3FB0]  }
0x31: {  	[smem:$0x3FB9] =	sst s10  }
0x32: {  	s10 =	sld [smem:$0x3FB7];
	_ =	sdelay $0x3  }
0x33: {  	p0 =	seq.s32 s10, $0x1;
	s10 =	sld [smem:$0x3FB9];
	_ =	sdelay $0x3  }
0x34: {  	[smem:$0x3FB9] =	sst s10  }
0x35: {  	s10 =	sld [smem:$0x3FB8];
	_ =	sdelay $0x3  }
0x36: {  	p1 =	seq.s32 s10, $0x1;
	s10 =	sld [smem:$0x3FB9];
	_ =	sdelay $0x3  }
0x37: {  	[smem:$0x3FB9] =	sst s10  }
0x38: {  	s10 =	sld [smem:$0x3FBA]  }
0x39: {  	_ = 	snop;
	(pc) =	sbr.ind lr, $3  }
0x3a: {  	_ = 	snop  }
0x3b: {  	_ = 	snop  }
0x3c: {  	p2 =	seq.s32 s10, $0x1;
	s10 =	sld [smem:$0x3FB9]  }
0x3d: {  	_ =	shalt  }
0x3e: {  	_ =	shalt  }
0x3f: {  	_ =	shalt  }
0x40: {  	_ =	shalt  }
0x41: {  	_ =	shalt  }
0x42: {  	_ =	shalt  }
0x43: {  	_ =	shalt  }
0x44: {  	_ =	shalt  }
0x45: {  	_ =	shalt  }
0x46: {  	_ =	shalt  }
0x47: {  	_ =	shalt  }
0x48: {  	_ =	shalt  }
0x49: {  	_ =	shalt  }
0x4a: {  	_ =	shalt  }
0x4b: {  	_ =	shalt  }
0x4c: {  	_ =	shalt  }
0x4d: {  	_ =	shalt  }
0x4e: {  	_ =	shalt  }
0x4f: {  	_ =	shalt  }
0x50: {  	_ =	shalt  }
0x51: {  	_ =	shalt  }
0x52: {  	_ =	shalt  }
0x53: {  	_ =	shalt  }
0x54: {  	_ =	shalt  }
0x55: {  	_ =	shalt  }
0x56: {  	_ =	shalt  }
0x57: {  	_ =	shalt  }
0x58: {  	_ =	shalt  }
0x59: {  	_ =	shalt  }
0x5a: {  	_ =	shalt  }
0x5b: {  	_ =	shalt  }
0x5c: {  	_ =	shalt  }
0x5d: {  	_ =	shalt  }
0x5e: {  	_ =	shalt  }
0x5f: {  	_ =	shalt  }
0x60: {  	_ =	shalt  }
0x61: {  	_ =	shalt  }
0x62: {  	_ =	shalt  }
0x63: {  	_ =	shalt  }
0x64: {  	_ =	shalt  }
0x65: {  	_ =	shalt  }
0x66: {  	_ =	shalt  }
0x67: {  	_ =	shalt  }
0x68: {  	_ =	shalt  }
0x69: {  	_ =	shalt  }
0x6a: {  	_ =	shalt  }
0x6b: {  	_ =	shalt  }
0x6c: {  	_ =	shalt  }
0x6d: {  	_ =	shalt  }
0x6e: {  	_ =	shalt  }
0x6f: {  	_ =	shalt  }
0x70: {  	_ =	shalt  }
0x71: {  	_ =	shalt  }
0x72: {  	_ =	shalt  }
0x73: {  	_ =	shalt  }
0x74: {  	_ =	shalt  }
0x75: {  	_ =	shalt  }
0x76: {  	_ =	shalt  }
0x77: {  	_ =	shalt  }
0x78: {  	_ =	shalt  }
0x79: {  	_ =	shalt  }
0x7a: {  	_ =	shalt  }
0x7b: {  	_ =	shalt  }
0x7c: {  	_ =	shalt  }
0x7d: {  	_ =	shalt  }
0x7e: {  	_ =	shalt  }
0x7f: {  	_ =	shalt  }
0x80: {  	_ =	shalt  }
0x81: {  	_ =	shalt  }
0x82: {  	_ =	shalt  }
0x83: {  	_ =	shalt  }
0x84: {  	_ =	shalt  }
0x85: {  	_ =	shalt  }
0x86: {  	_ =	shalt  }
0x87: {  	_ =	shalt  }
.Lfunc_end0:
.L_simem_size_0:
called_computation_lowered:
.L_overlay_start_0:
0x88: {  	s2 =	sld [smem:$0x3FD9]  }
0x89: {  	s3 =	sld [smem:$0x3FFE];
	_ =	sdelay $0x1  }
0x8a: {  	s1 =	srdreg.scid  }
0x8b: {  	s0 =	sand.u32 $0x1, s1  }
0x8c: {  	s18 =	sshll.u32 s0, $0xA;
	s2 =	sadd.s32 s3, s2  }
0x8d: {  	s2 =	sadd.s32 s2, s18  }
0x8e: {  	[smem:$0x3FC5] =	sst s2  }
0x8f: {  	_ = 	snop  }
0x90: {  	s2 =	sld [smem:$0x3FC9]  }
0x91: {  	s19 =	sld [smem:$0x3FD0];
	(tm) =	ssettm $0x1  }
0x92: {  	s4 =	sld [smem:$0x3FFB];
	_ =	sdelay $0x3  }
0x93: {  	_ =	strace s4  }
0x94: {  	s4 =	sld [smem:$0x3FFC];
	_ =	sdelay $0x3  }
0x95: {  	_ =	strace s4  }
0x96: {  	s4 =	sld [smem:$0x3FFD];
	_ =	sdelay $0x3  }
0x97: {  	_ =	strace s4  }
0x98: {  	_ =	strace $0x8FFFFFFF  }
0x99: {  	s20 =	sld [smem:$0x3FDB];
	_ =	sdelay $0x1  }
0x9a: {  	s5 =	simm.s32 $_scs_section_size  }
0x9b: {  	s6 =	simm.s32 $_size__tile_overlayer_lowered;
	s7 =	simm.s32 $_tile_overlayer_lowered  }
0x9c: {  	s23 =	simm.s32 $0x1BFF;
	s22 =	sshll.u32 s7, $0x1;
	s4 =	sadd.s32 s5, s20  }
0x9d: {  	s8 =	simm.s32 $0x0;
	s21 =	sshll.u32 s6, $0x1;
	s6 =	sadd.s32 s22, s4  }
0x9e: {  	[timem:s8], [sflag:s23] =	dma.local [hbm:s6], s21  }
0x9f: {  	_ =	swait.ge [sflag:s23], s21  }
0xa0: {  	s5 =	ssub.s32 $0x0, s21;
	[sflag:s23] =	ssyncset.done $0x0  }
0xa1: {  	[sflag:s23] =	ssyncadd.s32 s5;
	_ =	sdelay $0x1  }
0xa2: {  	s24 =	simm.s32 $0x1B8B  }
0xa3: {  	_ =	swait.ge [sflag:s24], $0x1  }
0xa4: {  	[sflag:s24] =	ssyncset.done $0x0  }
0xa5: {  	s25 =	simm.s32 $0x1B8E;
	[sflag:s24] =	ssyncadd.s32 $0xFFFFFFFF  }
0xa6: {  	s26 =	simm.s32 $execute0_lowered;
	[smem:$0x3FD2] =	sst s25  }
0xa7: {  	s5 =	sshll.u32 s26, $0x1;
	_ =	strace $0x80000046;
	[dreg:$0x1] =	wrdreg $0xFFFFFFFF  }
0xa8: {  	s28 =	simm.s32 $_size_execute0_lowered;
	s4 =	sadd.s32 s4, s5;
	[dreg:$0x0] =	wrdreg $0x0  }
0xa9: {  	s5 =	sshll.u32 s28, $0x1;
	[dreg:$0x2] =	wrdreg s4  }
0xaa: {  	[dreg:$0x3] =	wrdreg s5  }
0xab: {  	[dreg:$0x4] =	wrdreg $0xC0  }
0xac: {  	_ =	task [dreg:s8], $0x5FFFF  }
0xad: {  	[dreg:$0x1] =	wrdreg $0xFFFFFFFF  }
0xae: {  	[dreg:$0x0] =	wrdreg $0x60  }
0xaf: {  	[dreg:$0x2] =	wrdreg s2  }
0xb0: {  	[dreg:$0x3] =	wrdreg s19  }
0xb1: {  	[dreg:$0x4] =	wrdreg $0xA0000  }
0xb2: {  	[dreg:$0x5] =	wrdreg $0x9  }
0xb3: {  	_ =	task.clear_ibuf [dreg:s8], $0x6FFFF;
	_ =	strace $0x90000046  }
0xb4: {  	s29 =	simm.s32 $0x9;
	_ =	strace $0x80000048  }
0xb5: {  	_ =	swait.ge [sflag:s29], $0x1  }
0xb6: {  	[sflag:s29] =	ssyncadd.s32 $0xFFFFFFFF  }
0xb7: {  	_ =	strace $0x90000048  }
0xb8: {  	_ =	sfence  }
0xb9: {  	s30 =	sld [smem:$0x0];
	_ =	sdelay $0x2  }
0xba: {  	s31 =	sshll.u32 s1, $0xD;
	s1 =	sshrl.u32 s1, $0x2  }
0xbb: {  	s3 =	sand.u32 $0x4000, s31;
	s1 =	sadd.s32 s1, s30  }
0xbc: {  	s0 =	sor.u32 s3, s0;
	s1 =	sshll.u32 s1, $0x11  }
0xbd: {  	s0 =	sor.u32 s1, s0  }
0xbe: {  	s0 =	sadd.s32 $0x8F2B, s0  }
0xbf: {  	[sflag:s0] =	ssyncadd.remote.s32 $0x1  }
0xc0: {  	_ =	sfence.sel $0xFFFF  }
0xc1: {  	[dreg:$0x0] =	wrdreg $0xFFFFFFFF;
	(pc) =	sbr.abs _section_cstart, $3  }
0xc2: {  	[dreg:$0x1] =	wrdreg $0xFFFFFFFF  }
0xc3: {  	_ =	task.clear_ibuf [dreg:s8], $0x2FFFF;
	_ =	strace $0x9FFFFFFF  }
0xc4: {  	(tm) =	ssettm $0x7FFFFFFF  }
0xc5: {  	_ =	shalt  }
tec
execute0_lowered:
.L_overlay_start_1:
0x0: {  	(tag) =	ssettag $0x1  }
0x1: {  	s4 =	rddreg [dreg:$0x0]  }
0x2: {  	s6 =	rddreg [dreg:$0x1]  }
0x3: {  	s0 =	srdreg.scid;
	s22 =	stileid.u32  }
0x4: {  	s1 =	rddreg [dreg:$0x2];
	s2 =	simm.s32 $0x0;
	s11 =	simm.s32 $0x680  }
0x5: {  	s12 =	simm.s32 $0x4E00;
	s13 =	simm.s32 $0x7680;
	s14 =	simm.s32 $0x5480  }
0x6: {  	s15 =	simm.s32 $0x7D00;
	s16 =	simm.s32 $0x5B00;
	s17 =	simm.s32 $0x8380  }
0x7: {  	s18 =	simm.s32 $0x6180;
	s19 =	simm.s32 $0x8A00;
	s20 =	simm.s32 $0x6800  }
0x8: {  	s21 =	simm.s32 $0x9080;
	s23 =	simm.s32 $0x9700;
	s24 =	simm.s32 $0x2  }
0x9: {  	s25 =	simm.s32 $0x0;
	s5 =	sand.u32 $0x1, s0;
	s0 =	rddreg [dreg:$0x3]  }
0xa: {  	s3 =	sshll.u32 s22, $0x1;
	[smem:$0x7FF] =	sst s2;
	s10 =	smul.u32 $0xA00, s22  }
0xb: {  	p0 =	sgt.u32 s22, $0x1;
	p1 =	sne.s32 s22, $0x0;
	s22 =	simm.s32 $0x6E80  }
0xc: {  	s7 =	sor.u32 s5, s3;
	s29 =	ssub.s32 $0x2, s5;
	_ =	strace $0x80000047  }
0xd: {  	s31 =	sshll.u32 s5, $0x4;
	s8 =	smul.u32 $0x9C0, s7;
	s9 =	sshrl.u32 s29, $0x1  }
0xe: {  	s7 =	sshll.u32 s7, $0x5;
	s30 =	sshrl.u32 s10, $0x2;
	s6 =	sadd.s32 s6, s31  }
0xf: {  	s10 =	simm.s32 $0x1;
	s9 =	ssub.s32 s29, s9;
	s5 =	sadd.s32 s30, s1  }
0x10: {  	s3 =	sadd.s32 s4, s8;
	s4 =	sadd.s32 s7, s4;
	s7 =	smax.u32 s9, $0x1  }
0x11: {  	v0 =	vimm.f32 $1.000000000e+00;
	v1 =	vimm.f32 $0.0e+00;
	s8 =	simm.s32 $0x9D80;
	s9 =	simm.s32 $0x3;
	s4 =	sadd.s32 $0x13800, s4  }
.LBB2_1:
0x12: {  	[tilespmem:s2], [sflag:$0x1] =	stream.linear.gather [hbm4b:s3+s2], $0x4E00, $0x38;
	[tilespmem:$0xA280] =	vst v63  }
0x13: {  	s26 =	simm.s32 @!p0 $0x0;
	s28 =	simm.s32 @!p0 $0x7500  }
0x14: {  	[tilespmem:s28], [sflag:$0x3] =	stream.linear.gather @!p0 [hbm4b:s4+s26], $0x100, $0x38;
	[tilespmem:$0xA280] =	vst v63  }
0x15: {  	s26 =	simm.s32 @!p0 $0x3  }
0x16: {  	_ =	swait.ge @!p0 [sflag:s26], $0x100  }
0x17: {  	[sflag:s26] =	ssyncset.done @!p0 $0x0  }
0x18: {  	s28 =	simm.s32 $0x0;
	[sflag:s26] =	ssyncadd.s32 @!p0 $0xFFFFFF00;
	s26 =	simm.s32 $0x40  }
.LBB2_2:
0x19: {  	p2 =	sne.s32 s26, $0x9BC0;
	[tilespmem:s28+$0x7680] =	vst v0;
	s28 =	smov.u32 s26;
	s26 =	sadd.s32 $0x40, s26  }
.Ltmp0:
0x1a: {  	(pc) =	sbr.rel @p2 .LBB2_2-.Ltmp0, $2  }
0x1b: {  	_ =	sdelay $0x2  }
0x1c: {  	s28 =	sshra.s32 s28, $0x2  }
0x1d: {  	[tilespmem:s28+$0x7680] =	vst v0  }
0x1e: {  	[tilespmem:$0x9D80] =	vst v1  }
0x1f: {  	[tilespmem:$0x9D90] =	vst v1  }
0x20: {  	[tilespmem:$0x9DA0] =	vst v1  }
0x21: {  	[tilespmem:$0x9DB0] =	vst v1  }
0x22: {  	[tilespmem:$0x9DC0] =	vst v1  }
0x23: {  	[tilespmem:$0x9DD0] =	vst v1  }
0x24: {  	[tilespmem:$0x9DE0] =	vst v1  }
0x25: {  	[tilespmem:$0x9DF0] =	vst v1  }
0x26: {  	[tilespmem:$0x9E00] =	vst v1  }
0x27: {  	[tilespmem:$0x9E10] =	vst v1  }
0x28: {  	[tilespmem:$0x9E20] =	vst v1  }
0x29: {  	[tilespmem:$0x9E30] =	vst v1  }
0x2a: {  	[tilespmem:$0x9E40] =	vst v1  }
0x2b: {  	[tilespmem:$0x9E50] =	vst v1  }
0x2c: {  	[tilespmem:$0x9E60] =	vst v1  }
0x2d: {  	[tilespmem:$0x9E70] =	vst v1  }
0x2e: {  	[tilespmem:$0x9E80] =	vst v1  }
0x2f: {  	[tilespmem:$0x9E90] =	vst v1  }
0x30: {  	[tilespmem:$0x9EA0] =	vst v1  }
0x31: {  	[tilespmem:$0x9EB0] =	vst v1  }
0x32: {  	[tilespmem:$0x9EC0] =	vst v1  }
0x33: {  	[tilespmem:$0x9ED0] =	vst v1  }
0x34: {  	[tilespmem:$0x9EE0] =	vst v1  }
0x35: {  	[tilespmem:$0x9EF0] =	vst v1  }
0x36: {  	[tilespmem:$0x9F00] =	vst v1  }
0x37: {  	[tilespmem:$0x9F10] =	vst v1  }
0x38: {  	[tilespmem:$0x9F20] =	vst v1  }
0x39: {  	[tilespmem:$0x9F30] =	vst v1  }
0x3a: {  	[tilespmem:$0x9F40] =	vst v1  }
0x3b: {  	[tilespmem:$0x9F50] =	vst v1  }
0x3c: {  	[tilespmem:$0x9F60] =	vst v1  }
0x3d: {  	[tilespmem:$0x9F70] =	vst v1  }
0x3e: {  	[tilespmem:$0x9F80] =	vst v1  }
0x3f: {  	[tilespmem:$0x9F90] =	vst v1  }
0x40: {  	[tilespmem:$0x9FA0] =	vst v1  }
0x41: {  	[tilespmem:$0x9FB0] =	vst v1  }
0x42: {  	[tilespmem:$0x9FC0] =	vst v1  }
0x43: {  	[tilespmem:$0x9FD0] =	vst v1  }
0x44: {  	[tilespmem:$0x9FE0] =	vst v1  }
0x45: {  	[tilespmem:$0x9FF0] =	vst v1  }
0x46: {  	[spmem:s5] =	stream.linear.scatter [tilespmem:s8], [sflag:$0x3], $0x280, $0x38;
	[tilespmem:$0xA280] =	vst v63  }
0x47: {  	_ =	swait.ge [sflag:s9], $0x280  }
0x48: {  	[sflag:s9] =	ssyncset.done $0x0  }
0x49: {  	[sflag:s9] =	ssyncadd.s32 $0xFFFFFD80  }
0x4a: {  	_ =	swait.ge [sflag:s10], $0x4E00  }
0x4b: {  	[sflag:s10] =	ssyncset.done $0x0  }
0x4c: {  	[sflag:s10] =	ssyncadd.s32 $0xFFFFB200  }
0x4d: {  	[bflag:$0x0] =	sbarrier.arrive $0xFFFF  }
0x4e: {  	v2 =	vld @!p0 [tilespmem:$0x7580]  }
0x4f: {  	v3 =	vld @!p0 [tilespmem:$0x7590]  }
0x50: {  	v4 =	vld @!p0 [tilespmem:$0x75A0]  }
0x51: {  	v5 =	vld @!p0 [tilespmem:$0x75B0]  }
0x52: {  	v6 =	vld @!p0 [tilespmem:$0x75C0]  }
0x53: {  	[tilespmem:$0x7600] =	vst @!p0 v2;
	v2 =	vld @!p0 [tilespmem:$0x75D0]  }
0x54: {  	[tilespmem:$0x7610] =	vst @!p0 v3;
	v3 =	vld @!p0 [tilespmem:$0x75E0]  }
0x55: {  	[tilespmem:$0x7620] =	vst @!p0 v4;
	v4 =	vld @!p0 [tilespmem:$0x75F0]  }
0x56: {  	[tilespmem:$0x7630] =	vst @!p0 v5  }
0x57: {  	[tilespmem:$0x7640] =	vst @!p0 v6  }
0x58: {  	[tilespmem:$0x7650] =	vst @!p0 v2  }
0x59: {  	[tilespmem:$0x7660] =	vst @!p0 v3  }
0x5a: {  	s26 =	simm.s32 @!p0 $0x80;
	s28 =	simm.s32 @!p0 $0x7600;
	s29 =	simm.s32 @!p0 $0x7680;
	[tilespmem:$0x7670] =	vst @!p0 v4  }
0x5b: {  	[spmem:s1] =	stream.indirect.scatter.add.f32 @!p0 [tilespmem:s29], [sflag:$0x3], $0x1, s28, s26, $0xb8;
	[tilespmem:$0xA280] =	vst v63  }
0x5c: {  	s26 =	simm.s32 @!p0 $0x3;
	s28 =	simm.s32 $0x0  }
0x5d: {  	_ =	swait.ge @!p0 [sflag:s26], $0x80;
	s29 =	sand.u32 $0x3C00, s28  }
0x5e: {  	s28 =	sand.u32 $0x70, s28;
	[sflag:s26] =	ssyncset.done @!p0 $0x0;
	s29 =	sshrl.u32 s29, $0x2  }
0x5f: {  	[sflag:s26] =	ssyncadd.s32 @!p0 $0xFFFFFF80;
	s30 =	sor.u32 s28, s29  }
0x60: {  	v2 =	vld [tilespmem:s30+$0x80];
	_ =	sdelay $0x1  }
0x61: {  	s31 =	simm.s32 $0x80  }
0x62: {  	s28 =	simm.s32 $0x10;
	s29 =	sand.u32 $0x3C00, s31  }
0x63: {  	s26 =	simm.s32 $0x4E00;
	s28 =	sand.u32 $0x70, s28;
	s29 =	sshrl.u32 s29, $0x2  }
0x64: {  	s29 =	sor.u32 s28, s29;
	[tilespmem:s26+$0x0] =	vst v2  }
0x65: {  	v2 =	vld [tilespmem:s29+$0x80]  }
0x66: {  	s28 =	simm.s32 $0x20;
	s29 =	simm.s32 $0x100  }
.LBB2_4:
0x67: {  	s30 =	sand.u32 $0x3C00, s29;
	p2 =	sne.s32 s28, $0x670  }
0x68: {  	s31 =	smov.u32 s28;
	s28 =	sadd.s32 $0x10, s28;
	s26 =	sadd.s32 $0x10, s26  }
.Ltmp1:
0x69: {  	s31 =	sand.u32 $0x70, s31;
	s30 =	sshrl.u32 s30, $0x2;
	(pc) =	sbr.rel @p2 .LBB2_4-.Ltmp1, $3  }
0x6a: {  	s30 =	sor.u32 s31, s30;
	[tilespmem:s26+$0x0] =	vst v2  }
0x6b: {  	v2 =	vld [tilespmem:s30+$0x80];
	_ =	sdelay $0x1  }
0x6c: {  	s29 =	sadd.s32 $0x80, s29  }
0x6d: {  	_ = 	snop  }
0x6e: {  	s26 =	sadd.s32 $0x10, s26;
	s28 =	simm.s32 $0x3400  }
0x6f: {  	s29 =	sand.u32 $0x7C00, s28;
	[tilespmem:s26+$0x0] =	vst v2;
	s26 =	simm.s32 $0x0  }
0x70: {  	[spmem:s1] =	stream.indirect.scatter.add.f32 [tilespmem:s13], [sflag:$0x2], $0x1, s12, s11, $0xb8;
	[tilespmem:$0xA280] =	vst v63  }
0x71: {  	s29 =	sshrl.u32 s29, $0x2;
	s28 =	sand.u32 $0x70, s26  }
0x72: {  	s30 =	sor.u32 s28, s29  }
0x73: {  	s29 =	simm.s32 $0x3480;
	v2 =	vld [tilespmem:s30+$0x80]  }
.LBB2_6:
0x74: {  	s30 =	sand.u32 $0x7C00, s29;
	p2 =	sne.s32 s29, $0x6780  }
.Ltmp2:
0x75: {  	s31 =	sadd.s32 $0x680, s26;
	s26 =	sadd.s32 $0x10, s26;
	(pc) =	sbr.rel @p2 .LBB2_6-.Ltmp2, $4  }
0x76: {  	s29 =	sadd.s32 $0x80, s29;
	s31 =	sand.u32 $0xF80, s31  }
0x77: {  	s30 =	sshrl.u32 s30, $0x2;
	s31 =	sor.u32 s28, s31;
	s28 =	sand.u32 $0x70, s26  }
0x78: {  	s30 =	sor.u32 s28, s30;
	[tilespmem:s31+$0x4E00] =	vst v2  }
0x79: {  	v2 =	vld [tilespmem:s30+$0x80]  }
0x7a: {  	_ = 	snop  }
0x7b: {  	s26 =	sadd.s32 $0x680, s26  }
0x7c: {  	s26 =	sand.u32 $0xF80, s26  }
0x7d: {  	s26 =	sor.u32 s28, s26;
	s28 =	simm.s32 $0x6800  }
0x7e: {  	s29 =	sand.u32 $0xFC00, s28;
	[tilespmem:s26+$0x4E00] =	vst v2;
	s26 =	simm.s32 $0x0  }
0x7f: {  	[spmem:s1] =	stream.indirect.scatter.add.f32 [tilespmem:s15], [sflag:$0x2], $0x1, s14, s11, $0xb8;
	[tilespmem:$0xA280] =	vst v63  }
0x80: {  	s29 =	sshrl.u32 s29, $0x2;
	s28 =	sand.u32 $0x70, s26  }
0x81: {  	s30 =	sor.u32 s28, s29  }
0x82: {  	s29 =	simm.s32 $0x6880;
	v2 =	vld [tilespmem:s30+$0x80]  }
.LBB2_8:
0x83: {  	s30 =	sand.u32 $0xFC00, s29;
	p2 =	sne.s32 s29, $0x9B80  }
.Ltmp3:
0x84: {  	s31 =	sadd.s32 $0xD00, s26;
	s26 =	sadd.s32 $0x10, s26;
	(pc) =	sbr.rel @p2 .LBB2_8-.Ltmp3, $4  }
0x85: {  	s29 =	sadd.s32 $0x80, s29;
	s31 =	sand.u32 $0x1F80, s31  }
0x86: {  	s30 =	sshrl.u32 s30, $0x2;
	s31 =	sor.u32 s28, s31;
	s28 =	sand.u32 $0x70, s26  }
0x87: {  	s30 =	sor.u32 s28, s30;
	[tilespmem:s31+$0x4E00] =	vst v2  }
0x88: {  	v2 =	vld [tilespmem:s30+$0x80]  }
0x89: {  	_ = 	snop  }
0x8a: {  	s26 =	sadd.s32 $0xD00, s26  }
0x8b: {  	s26 =	sand.u32 $0x1F80, s26  }
0x8c: {  	s26 =	sor.u32 s28, s26;
	s28 =	simm.s32 $0x9C00  }
0x8d: {  	s29 =	sand.u32 $0xFC00, s28;
	[tilespmem:s26+$0x4E00] =	vst v2;
	s26 =	simm.s32 $0x0  }
0x8e: {  	[spmem:s1] =	stream.indirect.scatter.add.f32 [tilespmem:s17], [sflag:$0x2], $0x1, s16, s11, $0xb8;
	[tilespmem:$0xA280] =	vst v63  }
0x8f: {  	s29 =	sshrl.u32 s29, $0x2;
	s28 =	sand.u32 $0x70, s26  }
0x90: {  	s30 =	sor.u32 s28, s29  }
0x91: {  	s29 =	simm.s32 $0x9C80;
	v2 =	vld [tilespmem:s30+$0x80]  }
.LBB2_10:
0x92: {  	s30 =	sand.u32 $0xFC00, s29;
	p2 =	sne.s32 s29, $0xCF80  }
.Ltmp4:
0x93: {  	s31 =	sadd.s32 $0x1380, s26;
	s26 =	sadd.s32 $0x10, s26;
	(pc) =	sbr.rel @p2 .LBB2_10-.Ltmp4, $4  }
0x94: {  	s29 =	sadd.s32 $0x80, s29;
	s31 =	sand.u32 $0x1F80, s31  }
0x95: {  	s30 =	sshrl.u32 s30, $0x2;
	s31 =	sor.u32 s28, s31;
	s28 =	sand.u32 $0x70, s26  }
0x96: {  	s30 =	sor.u32 s28, s30;
	[tilespmem:s31+$0x4E00] =	vst v2  }
0x97: {  	v2 =	vld [tilespmem:s30+$0x80]  }
0x98: {  	_ = 	snop  }
0x99: {  	s26 =	sadd.s32 $0x1380, s26  }
0x9a: {  	s26 =	sand.u32 $0x1F80, s26  }
0x9b: {  	s26 =	sor.u32 s28, s26;
	s28 =	simm.s32 $0xD000  }
0x9c: {  	s29 =	sand.u32 $0x1FC00, s28;
	[tilespmem:s26+$0x4E00] =	vst v2;
	s26 =	simm.s32 $0x0  }
0x9d: {  	[spmem:s1] =	stream.indirect.scatter.add.f32 [tilespmem:s19], [sflag:$0x2], $0x1, s18, s11, $0xb8;
	[tilespmem:$0xA280] =	vst v63  }
0x9e: {  	s29 =	sshrl.u32 s29, $0x2;
	s28 =	sand.u32 $0x70, s26  }
0x9f: {  	s30 =	sor.u32 s28, s29  }
0xa0: {  	s29 =	simm.s32 $0xD080;
	v2 =	vld [tilespmem:s30+$0x80]  }
.LBB2_12:
0xa1: {  	s30 =	sand.u32 $0x1FC00, s29;
	p2 =	sne.s32 s29, $0x10380  }
.Ltmp5:
0xa2: {  	s31 =	sadd.s32 $0x1A00, s26;
	s26 =	sadd.s32 $0x10, s26;
	(pc) =	sbr.rel @p2 .LBB2_12-.Ltmp5, $4  }
0xa3: {  	s29 =	sadd.s32 $0x80, s29;
	s31 =	sand.u32 $0x3F80, s31  }
0xa4: {  	s30 =	sshrl.u32 s30, $0x2;
	s31 =	sor.u32 s28, s31;
	s28 =	sand.u32 $0x70, s26  }
0xa5: {  	s30 =	sor.u32 s28, s30;
	[tilespmem:s31+$0x4E00] =	vst v2  }
0xa6: {  	v2 =	vld [tilespmem:s30+$0x80]  }
0xa7: {  	_ = 	snop  }
0xa8: {  	s26 =	sadd.s32 $0x1A00, s26  }
0xa9: {  	s26 =	sand.u32 $0x3F80, s26  }
0xaa: {  	s26 =	sor.u32 s28, s26;
	s28 =	simm.s32 $0x10400  }
0xab: {  	s29 =	sand.u32 $0x17C00, s28;
	[tilespmem:s26+$0x4E00] =	vst v2;
	s26 =	simm.s32 $0x0  }
0xac: {  	[spmem:s1] =	stream.indirect.scatter.add.f32 [tilespmem:s21], [sflag:$0x2], $0x1, s20, s11, $0xb8;
	[tilespmem:$0xA280] =	vst v63  }
0xad: {  	s29 =	sshrl.u32 s29, $0x2;
	s28 =	sand.u32 $0x70, s26  }
0xae: {  	s30 =	sor.u32 s28, s29  }
0xaf: {  	s29 =	simm.s32 $0x10480;
	v2 =	vld [tilespmem:s30+$0x80]  }
.LBB2_14:
0xb0: {  	s30 =	sand.u32 $0x17C00, s29;
	p2 =	sne.s32 s29, $0x13780  }
.Ltmp6:
0xb1: {  	s31 =	sadd.s32 $0x2080, s26;
	s26 =	sadd.s32 $0x10, s26;
	(pc) =	sbr.rel @p2 .LBB2_14-.Ltmp6, $4  }
0xb2: {  	s29 =	sadd.s32 $0x80, s29;
	s31 =	sand.u32 $0x2F80, s31  }
0xb3: {  	s30 =	sshrl.u32 s30, $0x2;
	s31 =	sor.u32 s28, s31;
	s28 =	sand.u32 $0x70, s26  }
0xb4: {  	s30 =	sor.u32 s28, s30;
	[tilespmem:s31+$0x4E00] =	vst v2  }
0xb5: {  	v2 =	vld [tilespmem:s30+$0x80]  }
0xb6: {  	_ = 	snop  }
0xb7: {  	s26 =	sadd.s32 $0x2080, s26  }
0xb8: {  	s26 =	sand.u32 $0x2F80, s26  }
0xb9: {  	s26 =	sor.u32 s28, s26  }
0xba: {  	[tilespmem:s26+$0x4E00] =	vst v2  }
0xbb: {  	[spmem:s1] =	stream.indirect.scatter.add.f32 [tilespmem:s23], [sflag:$0x2], $0x1, s22, s11, $0xb8;
	[tilespmem:$0xA280] =	vst v63  }
0xbc: {  	_ =	swait.ge [sflag:s24], $0x680  }
0xbd: {  	[sflag:s24] =	ssyncset.done $0x0  }
0xbe: {  	[sflag:s24] =	ssyncadd.s32 $0xFFFFF980  }
0xbf: {  	_ =	swait.ge [sflag:s24], $0x680  }
0xc0: {  	[sflag:s24] =	ssyncset.done $0x0  }
0xc1: {  	[sflag:s24] =	ssyncadd.s32 $0xFFFFF980  }
0xc2: {  	_ =	swait.ge [sflag:s24], $0x680  }
0xc3: {  	[sflag:s24] =	ssyncset.done $0x0  }
0xc4: {  	[sflag:s24] =	ssyncadd.s32 $0xFFFFF980  }
0xc5: {  	_ =	swait.ge [sflag:s24], $0x680  }
0xc6: {  	[sflag:s24] =	ssyncset.done $0x0  }
0xc7: {  	[sflag:s24] =	ssyncadd.s32 $0xFFFFF980  }
0xc8: {  	_ =	swait.ge [sflag:s24], $0x680  }
0xc9: {  	[sflag:s24] =	ssyncset.done $0x0  }
0xca: {  	[sflag:s24] =	ssyncadd.s32 $0xFFFFF980  }
0xcb: {  	s29 =	simm.s32 @!p1 $0x20;
	_ =	swait.ge [sflag:s24], $0x680  }
0xcc: {  	s30 =	simm.s32 @!p1 $0x10;
	s25 =	sadd.s32 $0x1, s25;
	[sflag:s24] =	ssyncset.done $0x0  }
0xcd: {  	s31 =	simm.s32 @!p1 $0x1C03;
	p2 =	sne.s32 s25, s7;
	[sflag:s24] =	ssyncadd.s32 $0xFFFFF980  }
0xce: {  	s28 =	simm.s32 @!p1 $0x1;
	s26 =	sshrl.u32 @!p1 s1, $0x3;
	[bflag:$0x0] =	sbarrier.arrive $0xFFFF  }
0xcf: {  	[hbm:s6@s29], [sflag:s31] =	dma.strided @!p1 [spmem:s26@s30], $0x500, s28, $0x10   }
.Ltmp7:
0xd0: {  	_ = 	snop;
	(pc) =	sbr.rel @p2 .LBB2_1-.Ltmp7, $4  }
0xd1: {  	s26 =	simm.s32 @!p1 $0x3  }
0xd2: {  	_ =	swait.ge @!p1 [sflag:s26], $0x500  }
0xd3: {  	[sflag:s26] =	ssyncset.done @!p1 $0x0  }
0xd4: {  	[sflag:s26] =	ssyncadd.s32 @!p1 $0xFFFFFB00  }
0xd5: {  	_ =	sfence.sel $0x180000  }
0xd6: {  	[bflag:$0x0] =	sbarrier.arrive $0xFFFF  }
0xd7: {  	_ =	strace $0x90000047  }
0xd8: {  	s0 =	sadd.s32 @!p1 $0x100000, s0;
	[bflag:$0x2] =	sbarrier.arrive $0xFFFF  }
0xd9: {  	[sflag:s0] =	ssyncadd.tile.s32 @!p1 $0x1;
	_ =	shalt  }
.Lfunc_end2:
_tile_overlayer_lowered:
.L_overlay_start_2:
0xda: {  	(tag) =	ssettag $0x2  }
0xdb: {  	s0 =	rddreg [dreg:$0x0];
	s2 =	stileid.u32  }
0xdc: {  	s1 =	rddreg [dreg:$0x1];
	p0 =	sne.s32 s2, $0x0  }
0xdd: {  	s3 =	rddreg [dreg:$0x2];
	[bflag:$0x3] =	sbarrier.arrive $0xFFFF;
	s2 =	simm.s32 @!p0 $0x1C03  }
0xde: {  	[timem:s3], [sflag:s2] =	dma.local @!p0 [hbm:s0], s1  }
0xdf: {  	s0 =	simm.s32 @!p0 $0x3  }
0xe0: {  	_ =	swait.ge @!p0 [sflag:s0], s1  }
0xe1: {  	s1 =	ssub.s32 @!p0 $0x0, s1;
	[sflag:s0] =	ssyncset.done @!p0 $0x0  }
0xe2: {  	[sflag:s0] =	ssyncadd.s32 @!p0 s1  }
0xe3: {  	[bflag:$0x3] =	sbarrier.arrive $0xFFFF  }
0xe4: {  	_ =	shalt  }

</sc_bundles>
